<compile_context>
chip_gen: v7x
topology: tpu7x:2x2x1
jax: 0.10.2.dev20260603
libtpu: 0.0.44.dev20260713+nightly
codegen_flags: <defaults>
</compile_context>

<pallas_src>
import functools

import jax
import jax.numpy as jnp
from jax import lax
from jax.experimental import pallas as pl
from jax.experimental.pallas import tpu as pltpu
from jax.experimental.pallas import tpu_sc as plsc

N = 10000
E = 320000
D = 128
G = 64
OUT = 96
C = 5
EPS = 1e-5

NC = 2
NS = 16
DH = D // NC
LANES = 128
CH = 160
EPW = CH * LANES
E_PAD = NS * EPW
N_PAD = 10112
ROWS_PT = N_PAD // NS
K = 2
NG = CH // K

RBLK = 2000
NBLK = N // RBLK

_HI = lax.Precision.HIGHEST


def _sc_scatter_add(x2, src_t, dst_t, zrows):
  mesh = plsc.VectorSubcoreMesh(
      core_axis_name="c", subcore_axis_name="s", num_cores=NC, num_subcores=NS)

  @functools.partial(
      pl.kernel,
      mesh=mesh,
      out_type=jax.ShapeDtypeStruct((NC, N_PAD, DH), jnp.float32),
      scratch_types=[
          pltpu.VMEM((CH, LANES), jnp.int32),
          pltpu.VMEM((CH, LANES), jnp.int32),
          pltpu.VMEM((K * LANES, DH), jnp.float32),
          pltpu.VMEM((K * LANES, DH), jnp.float32),
          pltpu.SemaphoreType.DMA,
          pltpu.SemaphoreType.DMA,
          pltpu.VMEM_SHARED((N_PAD, DH), jnp.float32),
      ],
      compiler_params=pltpu.CompilerParams(use_tc_tiling_on_sc=False),
  )
  def k(x_hbm, src_hbm, dst_hbm, z_hbm, out_hbm,
        src_v, dst_v, buf_a, buf_b, gsem, ssem, agg_sh):
    cid = lax.axis_index("c")
    sid = lax.axis_index("s")
    xc = x_hbm.at[cid]
    pltpu.sync_copy(z_hbm, agg_sh.at[pl.ds(sid * ROWS_PT, ROWS_PT)])
    pltpu.sync_copy(src_hbm.at[sid], src_v)
    pltpu.sync_copy(dst_hbm.at[sid], dst_v)
    plsc.subcore_barrier()

    def fire_gathers(g, buf, sem):
      for j in range(K):
        pltpu.async_copy(xc.at[src_v.at[K * g + j]],
                         buf.at[pl.ds(j * LANES, LANES)], sem)

    def drain(buf, sem, n=K):
      for j in range(n):
        pltpu.make_async_copy(xc.at[pl.ds(0, LANES)],
                              buf.at[pl.ds(j * LANES, LANES)], sem).wait()

    def fire_scatters(g, buf, sem):
      for j in range(K):
        pltpu.async_copy(buf.at[pl.ds(j * LANES, LANES)],
                         agg_sh.at[dst_v.at[K * g + j]], sem, add=True)

    fire_gathers(0, buf_a, gsem)

    def body(g, carry):
      def step(buf, obuf):
        drain(buf, gsem)

        @pl.when(g + 1 < NG)
        def _():
          @pl.when(g >= 1)
          def _():
            drain(obuf, ssem)
          fire_gathers(g + 1, obuf, gsem)

        fire_scatters(g, buf, ssem)

      @pl.when(g % 2 == 0)
      def _():
        step(buf_a, buf_b)

      @pl.when(g % 2 == 1)
      def _():
        step(buf_b, buf_a)

      return carry

    lax.fori_loop(0, NG, body, 0)
    if NG % 2 == 0:
      drain(buf_a, ssem)
      drain(buf_b, ssem)
    else:
      drain(buf_b, ssem)
      drain(buf_a, ssem)
    plsc.subcore_barrier()
    pltpu.sync_copy(agg_sh.at[pl.ds(sid * ROWS_PT, ROWS_PT)],
                    out_hbm.at[cid, pl.ds(sid * ROWS_PT, ROWS_PT)])

  return k(x2, src_t, dst_t, zrows)


def _front_body(x_ref, wroot_ref, bc_ref, o_ref, wt_s, bs_s):
  i = pl.program_id(0)

  @pl.when(i == 0)
  def _init():
    wt_s[...] = jnp.sum(wroot_ref[...], axis=0)
    bs_s[...] = jnp.sum(bc_ref[...], axis=0, keepdims=True)

  o_ref[...] = (jnp.dot(x_ref[...], wt_s[...],
                        preferred_element_type=jnp.float32, precision=_HI)
                + bs_s[...])


def _tc_front(x, W_root, b_conv):
  return pl.pallas_call(
      _front_body,
      grid=(NBLK,),
      in_specs=[
          pl.BlockSpec((RBLK, D), lambda i: (i, 0)),
          pl.BlockSpec((C, D, D), lambda i: (0, 0, 0)),
          pl.BlockSpec((C, D), lambda i: (0, 0)),
      ],
      out_specs=pl.BlockSpec((RBLK, D), lambda i: (i, 0)),
      out_shape=jax.ShapeDtypeStruct((N, D), jnp.float32),
      scratch_shapes=[
          pltpu.VMEM((D, D), jnp.float32),
          pltpu.VMEM((1, D), jnp.float32),
      ],
      compiler_params=pltpu.CompilerParams(
          dimension_semantics=("arbitrary",)),
  )(x, W_root, b_conv)


def _tail_body(agg_ref, xr_ref, b3_ref, wrel_ref,
               bnw_ref, bnb_ref, cw_ref, cb_ref, o_ref,
               wr_s, cs_s, cq_s, gmax_s, gmin_s):
  i = pl.program_id(0)

  @pl.when(i == 0)
  def _init():
    wr_s[...] = jnp.sum(wrel_ref[...], axis=0)
    cs_s[...] = jnp.zeros_like(cs_s)
    cq_s[...] = jnp.zeros_like(cq_s)
    gmax_s[...] = jnp.full_like(gmax_s, -jnp.inf)
    gmin_s[...] = jnp.full_like(gmin_s, jnp.inf)

  wr = wr_s[...]
  out = (jnp.dot(agg_ref[0], wr[:DH, :], preferred_element_type=jnp.float32,
                 precision=_HI)
         + jnp.dot(agg_ref[1], wr[DH:, :], preferred_element_type=jnp.float32,
                   precision=_HI)
         + xr_ref[...])
  cs_s[...] += jnp.sum(out, axis=0, keepdims=True)
  cq_s[...] += jnp.sum(out * out, axis=0, keepdims=True)

  b = b3_ref[0]
  g_lo = jnp.min(b)
  g_hi = jnp.max(b)

  def upd(g, carry):
    m = b == g
    mx = jnp.max(jnp.where(m, out, -jnp.inf), axis=0, keepdims=True)
    mn = jnp.min(jnp.where(m, out, jnp.inf), axis=0, keepdims=True)
    row = lax.broadcasted_iota(jnp.int32, (G, 1), 0) == g
    gmax_s[...] = jnp.where(row, jnp.maximum(gmax_s[...], mx), gmax_s[...])
    gmin_s[...] = jnp.where(row, jnp.minimum(gmin_s[...], mn), gmin_s[...])
    return carry

  lax.fori_loop(g_lo, g_hi + 1, upd, 0)

  @pl.when(i == NBLK - 1)
  def _fin():
    mean = cs_s[...] / N
    var = jnp.maximum(cq_s[...] / N - mean * mean, 0.0)
    a = bnw_ref[...] * lax.rsqrt(var + EPS)
    sh = bnb_ref[...] - mean * a
    gmax = gmax_s[...]
    gmin = gmin_s[...]
    hg = jnp.where(a >= 0.0, gmax * a + sh, gmin * a + sh)
    hg = jnp.where(gmax == -jnp.inf, -jnp.inf, hg)
    gpool = jnp.maximum(hg, 0.0)
    o_ref[...] = (jnp.dot(gpool, cw_ref[...],
                          preferred_element_type=jnp.float32, precision=_HI)
                  + cb_ref[...])


def _tc_tail(aggp, xr, batch3, W_rel, bnw2, bnb2, cls_W, cls_b2):
  return pl.pallas_call(
      _tail_body,
      grid=(NBLK,),
      in_specs=[
          pl.BlockSpec((NC, RBLK, DH), lambda i: (0, i, 0)),
          pl.BlockSpec((RBLK, D), lambda i: (i, 0)),
          pl.BlockSpec((1, RBLK, 1), lambda i: (i, 0, 0)),
          pl.BlockSpec((C, D, D), lambda i: (0, 0, 0)),
          pl.BlockSpec((1, D), lambda i: (0, 0)),
          pl.BlockSpec((1, D), lambda i: (0, 0)),
          pl.BlockSpec((D, OUT), lambda i: (0, 0)),
          pl.BlockSpec((1, OUT), lambda i: (0, 0)),
      ],
      out_specs=pl.BlockSpec((G, OUT), lambda i: (0, 0)),
      out_shape=jax.ShapeDtypeStruct((G, OUT), jnp.float32),
      scratch_shapes=[
          pltpu.VMEM((D, D), jnp.float32),
          pltpu.VMEM((1, D), jnp.float32),
          pltpu.VMEM((1, D), jnp.float32),
          pltpu.VMEM((G, D), jnp.float32),
          pltpu.VMEM((G, D), jnp.float32),
      ],
      compiler_params=pltpu.CompilerParams(
          dimension_semantics=("arbitrary",)),
  )(aggp, xr, batch3, W_rel, bnw2, bnb2, cls_W, cls_b2)


@jax.jit
def kernel(x, edge_index, batch, i, W_rel, W_root, b_conv, bn_w, bn_b,
           cls_W, cls_b):
  del i
  pad = E_PAD - E
  src_t = jnp.concatenate(
      [edge_index[0], jnp.zeros((pad,), jnp.int32)]).reshape(NS, CH, LANES)
  dst_t = jnp.concatenate(
      [edge_index[1], jnp.full((pad,), N, jnp.int32)]).reshape(NS, CH, LANES)
  zrows = jnp.zeros((ROWS_PT, DH), jnp.float32)
  x2 = jnp.stack([x[:, :DH], x[:, DH:]])
  aggp = _sc_scatter_add(x2, src_t, dst_t, zrows)
  xr = _tc_front(x, W_root, b_conv)
  return _tc_tail(aggp, xr, batch.reshape(NBLK, RBLK, 1),
                  W_rel, bn_w.reshape(1, D),
                  bn_b.reshape(1, D), cls_W, cls_b.reshape(1, OUT))

# --- scband reference (transcript-rebuilt; emitter-appended) ---
"""Pipeline reference for scband-graph-dense-net-25202868093188 (READ-ONLY COPY).

The authoritative reference and input builder live on the scoring server;
editing this copy changes nothing except your own understanding.
"""

import jax, jax.numpy as jnp
import numpy as np

N = 10000
E = 320000
D = 128
G = 64
OUT = 96
C = 5
EPS = 1e-5


def setup_inputs(seed: int = 0) -> dict:
    key = jax.random.key(seed)
    ks = jax.random.split(key, 8)
    x = jax.random.normal(ks[0], (N, D), dtype=jnp.float32)
    edge_index = jax.random.randint(ks[1], (2, E), 0, N, dtype=jnp.int32)
    batch = jnp.sort(jax.random.randint(ks[2], (N,), 0, G, dtype=jnp.int32))
    sc = 1.0 / np.sqrt(D)
    W_rel = jax.random.normal(ks[3], (C, D, D), dtype=jnp.float32) * sc
    W_root = jax.random.normal(ks[4], (C, D, D), dtype=jnp.float32) * sc
    b_conv = jax.random.normal(ks[5], (C, D), dtype=jnp.float32) * sc
    bn_w = jnp.ones((D,), dtype=jnp.float32)
    bn_b = jnp.zeros((D,), dtype=jnp.float32)
    cls_W = jax.random.normal(ks[6], (D, OUT), dtype=jnp.float32) * sc
    cls_b = jax.random.normal(ks[7], (OUT,), dtype=jnp.float32) * sc
    return {"x": x, "edge_index": edge_index, "batch": batch, "i": 0,
            "W_rel": W_rel, "W_root": W_root, "b_conv": b_conv,
            "bn_w": bn_w, "bn_b": bn_b, "cls_W": cls_W, "cls_b": cls_b}


def reference(x, edge_index, batch, i, W_rel, W_root, b_conv, bn_w, bn_b, cls_W, cls_b):
    src = edge_index[0]
    dst = edge_index[1]
    # GraphConv (aggr='add'): out_i = W_rel @ sum_{j in N(i)} x_j + b + W_root @ x_i
    # aggregation is linear-op-after-aggregate, so one scatter-add suffices for all 5 convs
    agg = jnp.zeros_like(x).at[dst].add(x[src])
    out = jnp.zeros_like(x)
    for c in range(C):
        out = out + agg @ W_rel[c] + b_conv[c] + x @ W_root[c]
    # NodeLevelBatchNorm (training mode: batch statistics over all nodes)
    mean = jnp.mean(out, axis=0)
    var = jnp.var(out, axis=0)
    h = (out - mean) / jnp.sqrt(var + EPS) * bn_w + bn_b
    # global_max_pool per graph
    g = jax.ops.segment_max(h, batch, num_segments=G)
    g = jax.nn.relu(g)
    # i=0 < dropout_late//2 -> no dropout, straight to classifier
    return g @ cls_W + cls_b

if __name__ == "__main__":
    import jax
    _d = setup_inputs()
    print(jax.jit(kernel)(*tuple(_d.values())))

</pallas_src>

<mosaic_0001>
#map = affine_map<(d0, d1) -> (0, 0, 0)>
#map1 = affine_map<(d0, d1) -> (0, 0)>
module attributes {stable_mosaic.version = 14 : i64} {
  func.func @k(%arg0: i32, %arg1: i32, %arg2: memref<2x10000x64xf32, #tpu.memory_space<hbm>>, %arg3: memref<16x160x128xi32, #tpu.memory_space<hbm>>, %arg4: memref<16x160x128xi32, #tpu.memory_space<hbm>>, %arg5: memref<632x64xf32, #tpu.memory_space<hbm>>, %arg6: memref<2x10112x64xf32, #tpu.memory_space<hbm>>, %arg7: memref<160x128xi32, #tpu.memory_space<vmem>>, %arg8: memref<160x128xi32, #tpu.memory_space<vmem>>, %arg9: memref<256x64xf32, #tpu.memory_space<vmem>>, %arg10: memref<256x64xf32, #tpu.memory_space<vmem>>, %arg11: memref<!tpu.dma_semaphore, #tpu.memory_space<semaphore_mem>>, %arg12: memref<!tpu.dma_semaphore, #tpu.memory_space<semaphore_mem>>, %arg13: memref<10112x64xf32, #tpu.memory_space<vmem_shared>>) attributes {dimension_semantics = [#tpu.dimension_semantics<core_parallel>, #tpu.dimension_semantics<subcore_parallel>], iteration_bounds = array<i64: 2, 16>, scalar_prefetch = 0 : i64, scratch_operands = 7 : i64, tpu.core_type = #tpu.core_type<sc_vector_subcore>, window_params = [{transform_indices = #map}, {transform_indices = #map}, {transform_indices = #map}, {transform_indices = #map1}, {transform_indices = #map}]} {
    %mul3A = arith.constant 632 : i32
    %mul3A_0 = arith.muli %arg1, %mul3A : i32
    "tpu.region"() ({
      %run_scoped3A = tpu.sem_alloc : memref<!tpu.dma_semaphore, #tpu.memory_space<semaphore_mem>>
      %dma_start3A_117 = arith.constant 0 : i32
      %dma_start3A_118 = tpu.memref_slice %arg13[%mul3A_0, %dma_start3A_117] : memref<10112x64xf32, #tpu.memory_space<vmem_shared>> -> memref<632x64xf32, #tpu.memory_space<vmem_shared>>
      tpu.enqueue_dma source(%arg5 : memref<632x64xf32, #tpu.memory_space<hbm>>) target(%dma_start3A_118 : memref<632x64xf32, #tpu.memory_space<vmem_shared>>) target_semaphore(%run_scoped3A : memref<!tpu.dma_semaphore, #tpu.memory_space<semaphore_mem>>)
      %dma_wait3A_119 = arith.constant 0 : i32
      %dma_wait3A_120 = tpu.memref_slice %arg13[%mul3A_0, %dma_wait3A_119] : memref<10112x64xf32, #tpu.memory_space<vmem_shared>> -> memref<632x64xf32, #tpu.memory_space<vmem_shared>>
      tpu.wait_dma2 semaphore(%run_scoped3A : memref<!tpu.dma_semaphore, #tpu.memory_space<semaphore_mem>>) src(%arg5 : memref<632x64xf32, #tpu.memory_space<hbm>>) dst(%dma_wait3A_120 : memref<632x64xf32, #tpu.memory_space<vmem_shared>>)
      tpu.yield
    }) : () -> ()
    "tpu.region"() ({
      %run_scoped3A = tpu.sem_alloc : memref<!tpu.dma_semaphore, #tpu.memory_space<semaphore_mem>>
      %dma_start3A_117 = arith.constant 0 : i32
      %dma_start3A_118 = arith.constant 0 : i32
      %dma_start3A_119 = tpu.memref_slice %arg3[%arg1, %dma_start3A_117, %dma_start3A_118] : memref<16x160x128xi32, #tpu.memory_space<hbm>> -> memref<1x160x128xi32, #tpu.memory_space<hbm>>
      %dma_start3A_120 = tpu.memref_squeeze %dma_start3A_119 : memref<1x160x128xi32, #tpu.memory_space<hbm>> -> memref<160x128xi32, #tpu.memory_space<hbm>>
      %dma_start3A_121 = arith.constant 0 : i32
      %dma_start3A_122 = arith.constant 0 : i32
      %dma_start3A_123 = tpu.memref_slice %arg3[%arg1, %dma_start3A_121, %dma_start3A_122] : memref<16x160x128xi32, #tpu.memory_space<hbm>> -> memref<1x160x128xi32, #tpu.memory_space<hbm>>
      %dma_start3A_124 = tpu.memref_squeeze %dma_start3A_123 : memref<1x160x128xi32, #tpu.memory_space<hbm>> -> memref<160x128xi32, #tpu.memory_space<hbm>>
      tpu.enqueue_dma source(%dma_start3A_124 : memref<160x128xi32, #tpu.memory_space<hbm>>) target(%arg7 : memref<160x128xi32, #tpu.memory_space<vmem>>) target_semaphore(%run_scoped3A : memref<!tpu.dma_semaphore, #tpu.memory_space<semaphore_mem>>)
      %dma_wait3A_125 = arith.constant 0 : i32
      %dma_wait3A_126 = arith.constant 0 : i32
      %dma_wait3A_127 = tpu.memref_slice %arg3[%arg1, %dma_wait3A_125, %dma_wait3A_126] : memref<16x160x128xi32, #tpu.memory_space<hbm>> -> memref<1x160x128xi32, #tpu.memory_space<hbm>>
      %dma_wait3A_128 = tpu.memref_squeeze %dma_wait3A_127 : memref<1x160x128xi32, #tpu.memory_space<hbm>> -> memref<160x128xi32, #tpu.memory_space<hbm>>
      %dma_wait3A_129 = arith.constant 0 : i32
      %dma_wait3A_130 = arith.constant 0 : i32
      %dma_wait3A_131 = tpu.memref_slice %arg3[%arg1, %dma_wait3A_129, %dma_wait3A_130] : memref<16x160x128xi32, #tpu.memory_space<hbm>> -> memref<1x160x128xi32, #tpu.memory_space<hbm>>
      %dma_wait3A_132 = tpu.memref_squeeze %dma_wait3A_131 : memref<1x160x128xi32, #tpu.memory_space<hbm>> -> memref<160x128xi32, #tpu.memory_space<hbm>>
      tpu.wait_dma2 semaphore(%run_scoped3A : memref<!tpu.dma_semaphore, #tpu.memory_space<semaphore_mem>>) src(%dma_wait3A_132 : memref<160x128xi32, #tpu.memory_space<hbm>>) dst(%arg7 : memref<160x128xi32, #tpu.memory_space<vmem>>)
      tpu.yield
    }) : () -> ()
    "tpu.region"() ({
      %run_scoped3A = tpu.sem_alloc : memref<!tpu.dma_semaphore, #tpu.memory_space<semaphore_mem>>
      %dma_start3A_117 = arith.constant 0 : i32
      %dma_start3A_118 = arith.constant 0 : i32
      %dma_start3A_119 = tpu.memref_slice %arg4[%arg1, %dma_start3A_117, %dma_start3A_118] : memref<16x160x128xi32, #tpu.memory_space<hbm>> -> memref<1x160x128xi32, #tpu.memory_space<hbm>>
      %dma_start3A_120 = tpu.memref_squeeze %dma_start3A_119 : memref<1x160x128xi32, #tpu.memory_space<hbm>> -> memref<160x128xi32, #tpu.memory_space<hbm>>
      %dma_start3A_121 = arith.constant 0 : i32
      %dma_start3A_122 = arith.constant 0 : i32
      %dma_start3A_123 = tpu.memref_slice %arg4[%arg1, %dma_start3A_121, %dma_start3A_122] : memref<16x160x128xi32, #tpu.memory_space<hbm>> -> memref<1x160x128xi32, #tpu.memory_space<hbm>>
      %dma_start3A_124 = tpu.memref_squeeze %dma_start3A_123 : memref<1x160x128xi32, #tpu.memory_space<hbm>> -> memref<160x128xi32, #tpu.memory_space<hbm>>
      tpu.enqueue_dma source(%dma_start3A_124 : memref<160x128xi32, #tpu.memory_space<hbm>>) target(%arg8 : memref<160x128xi32, #tpu.memory_space<vmem>>) target_semaphore(%run_scoped3A : memref<!tpu.dma_semaphore, #tpu.memory_space<semaphore_mem>>)
      %dma_wait3A_125 = arith.constant 0 : i32
      %dma_wait3A_126 = arith.constant 0 : i32
      %dma_wait3A_127 = tpu.memref_slice %arg4[%arg1, %dma_wait3A_125, %dma_wait3A_126] : memref<16x160x128xi32, #tpu.memory_space<hbm>> -> memref<1x160x128xi32, #tpu.memory_space<hbm>>
      %dma_wait3A_128 = tpu.memref_squeeze %dma_wait3A_127 : memref<1x160x128xi32, #tpu.memory_space<hbm>> -> memref<160x128xi32, #tpu.memory_space<hbm>>
      %dma_wait3A_129 = arith.constant 0 : i32
      %dma_wait3A_130 = arith.constant 0 : i32
      %dma_wait3A_131 = tpu.memref_slice %arg4[%arg1, %dma_wait3A_129, %dma_wait3A_130] : memref<16x160x128xi32, #tpu.memory_space<hbm>> -> memref<1x160x128xi32, #tpu.memory_space<hbm>>
      %dma_wait3A_132 = tpu.memref_squeeze %dma_wait3A_131 : memref<1x160x128xi32, #tpu.memory_space<hbm>> -> memref<160x128xi32, #tpu.memory_space<hbm>>
      tpu.wait_dma2 semaphore(%run_scoped3A : memref<!tpu.dma_semaphore, #tpu.memory_space<semaphore_mem>>) src(%dma_wait3A_132 : memref<160x128xi32, #tpu.memory_space<hbm>>) dst(%arg8 : memref<160x128xi32, #tpu.memory_space<vmem>>)
      tpu.yield
    }) : () -> ()
    %barrier3A = arith.constant 0 : index
    tpu.barrier barrier_id(%barrier3A)
    %dma_start3A = arith.constant 0 : i32
    %dma_start3A_1 = arith.constant 0 : i32
    %dma_start3A_2 = arith.constant 0 : i32
    %dma_start3A_3 = tpu.memref_slice %arg9[%dma_start3A_1, %dma_start3A_2] : memref<256x64xf32, #tpu.memory_space<vmem>> -> memref<128x64xf32, #tpu.memory_space<vmem>>
    %dma_start3A_4 = arith.constant 0 : i32
    %dma_start3A_5 = tpu.memref_slice %arg7[%dma_start3A, %dma_start3A_4] : memref<160x128xi32, #tpu.memory_space<vmem>> -> memref<1x128xi32, #tpu.memory_space<vmem>>
    %dma_start3A_6 = tpu.memref_squeeze %dma_start3A_5 : memref<1x128xi32, #tpu.memory_space<vmem>> -> memref<128xi32, #tpu.memory_space<vmem>>
    %dma_start3A_7 = arith.constant 0 : i32
    %dma_start3A_8 = arith.constant 0 : i32
    %dma_start3A_9 = tpu.memref_slice %arg2[%arg0, %dma_start3A_7, %dma_start3A_8] : memref<2x10000x64xf32, #tpu.memory_space<hbm>> -> memref<1x10000x64xf32, #tpu.memory_space<hbm>>
    %dma_start3A_10 = tpu.memref_squeeze %dma_start3A_9 : memref<1x10000x64xf32, #tpu.memory_space<hbm>> -> memref<10000x64xf32, #tpu.memory_space<hbm>>
    %dma_start3A_11 = arith.constant 0 : i32
    %dma_start3A_12 = arith.constant 0 : i32
    %dma_start3A_13 = tpu.memref_slice %dma_start3A_10[%dma_start3A_11, %dma_start3A_12] : memref<10000x64xf32, #tpu.memory_space<hbm>> -> memref<10000x64xf32, #tpu.memory_space<hbm>>
    tpu.enqueue_indirect_dma source(%dma_start3A_13 : memref<10000x64xf32, #tpu.memory_space<hbm>>) target(%dma_start3A_3 : memref<128x64xf32, #tpu.memory_space<vmem>>) offsets(%dma_start3A_6 : memref<128xi32, #tpu.memory_space<vmem>>) semaphore(%arg11 : memref<!tpu.dma_semaphore, #tpu.memory_space<semaphore_mem>>)
    %dma_start3A_14 = arith.constant 1 : i32
    %dma_start3A_15 = arith.constant 128 : i32
    %dma_start3A_16 = arith.constant 0 : i32
    %dma_start3A_17 = tpu.memref_slice %arg9[%dma_start3A_15, %dma_start3A_16] : memref<256x64xf32, #tpu.memory_space<vmem>> -> memref<128x64xf32, #tpu.memory_space<vmem>>
    %dma_start3A_18 = arith.constant 0 : i32
    %dma_start3A_19 = tpu.memref_slice %arg7[%dma_start3A_14, %dma_start3A_18] : memref<160x128xi32, #tpu.memory_space<vmem>> -> memref<1x128xi32, #tpu.memory_space<vmem>>
    %dma_start3A_20 = tpu.memref_squeeze %dma_start3A_19 : memref<1x128xi32, #tpu.memory_space<vmem>> -> memref<128xi32, #tpu.memory_space<vmem>>
    %dma_start3A_21 = arith.constant 0 : i32
    %dma_start3A_22 = arith.constant 0 : i32
    %dma_start3A_23 = tpu.memref_slice %arg2[%arg0, %dma_start3A_21, %dma_start3A_22] : memref<2x10000x64xf32, #tpu.memory_space<hbm>> -> memref<1x10000x64xf32, #tpu.memory_space<hbm>>
    %dma_start3A_24 = tpu.memref_squeeze %dma_start3A_23 : memref<1x10000x64xf32, #tpu.memory_space<hbm>> -> memref<10000x64xf32, #tpu.memory_space<hbm>>
    %dma_start3A_25 = arith.constant 0 : i32
    %dma_start3A_26 = arith.constant 0 : i32
    %dma_start3A_27 = tpu.memref_slice %dma_start3A_24[%dma_start3A_25, %dma_start3A_26] : memref<10000x64xf32, #tpu.memory_space<hbm>> -> memref<10000x64xf32, #tpu.memory_space<hbm>>
    tpu.enqueue_indirect_dma source(%dma_start3A_27 : memref<10000x64xf32, #tpu.memory_space<hbm>>) target(%dma_start3A_17 : memref<128x64xf32, #tpu.memory_space<vmem>>) offsets(%dma_start3A_20 : memref<128xi32, #tpu.memory_space<vmem>>) semaphore(%arg11 : memref<!tpu.dma_semaphore, #tpu.memory_space<semaphore_mem>>)
    %scan3A = arith.constant 0 : i32
    %scan3A_28 = arith.constant 0 : i32
    %scan3A_29 = arith.constant 80 : i32
    %scan3A_30 = arith.addi %scan3A_28, %scan3A_29 : i32
    %scan3A_31 = arith.constant 1 : i32
    scf.for %scan3A_117 = %scan3A_28 to %scan3A_30 step %scan3A_31  : i32 {
      %jit3A = arith.constant 2 : i32
      %eq3A = arith.constant 0 : i32
      %eq3A_118 = arith.cmpi eq, %jit3A, %eq3A : i32
      %jit3A_119 = arith.constant 1 : i32
      %select_n3A = arith.select %eq3A_118, %jit3A_119, %jit3A : i32
      %rem3A = arith.remsi %scan3A_117, %select_n3A : i32
      %ne3A = arith.constant 0 : i32
      %ne3A_120 = arith.cmpi ne, %rem3A, %ne3A : i32
      %lt3A = arith.constant 0 : i32
      %lt3A_121 = arith.cmpi slt, %rem3A, %lt3A : i32
      %lt3A_122 = arith.constant 0 : i32
      %lt3A_123 = arith.cmpi slt, %select_n3A, %lt3A_122 : i32
      %ne3A_124 = arith.xori %lt3A_121, %lt3A_123 : i1
      %and3A = arith.andi %ne3A_124, %ne3A_120 : i1
      %add3A = arith.addi %rem3A, %select_n3A : i32
      %select_n3A_125 = arith.select %and3A, %add3A, %rem3A : i32
      %eq3A_126 = arith.constant 0 : i32
      %eq3A_127 = arith.cmpi eq, %select_n3A_125, %eq3A_126 : i32
      %convert_element_type3A = arith.extui %eq3A_127 : i1 to i32
      %cond3A = arith.constant 0 : i32
      %cond3A_128 = arith.cmpi ne, %convert_element_type3A, %cond3A : i32
      scf.if %cond3A_128 {
        %dma_wait3A_150 = arith.constant 0 : i32
        %dma_wait3A_151 = arith.constant 0 : i32
        %dma_wait3A_152 = tpu.memref_slice %arg9[%dma_wait3A_150, %dma_wait3A_151] : memref<256x64xf32, #tpu.memory_space<vmem>> -> memref<128x64xf32, #tpu.memory_space<vmem>>
        %dma_wait3A_153 = arith.constant 0 : i32
        %dma_wait3A_154 = arith.constant 0 : i32
        %dma_wait3A_155 = tpu.memref_slice %arg2[%arg0, %dma_wait3A_153, %dma_wait3A_154] : memref<2x10000x64xf32, #tpu.memory_space<hbm>> -> memref<1x10000x64xf32, #tpu.memory_space<hbm>>
        %dma_wait3A_156 = tpu.memref_squeeze %dma_wait3A_155 : memref<1x10000x64xf32, #tpu.memory_space<hbm>> -> memref<10000x64xf32, #tpu.memory_space<hbm>>
        %dma_wait3A_157 = arith.constant 0 : i32
        %dma_wait3A_158 = arith.constant 0 : i32
        %dma_wait3A_159 = tpu.memref_slice %dma_wait3A_156[%dma_wait3A_157, %dma_wait3A_158] : memref<10000x64xf32, #tpu.memory_space<hbm>> -> memref<128x64xf32, #tpu.memory_space<hbm>>
        %dma_wait3A_160 = arith.constant 0 : i32
        %dma_wait3A_161 = arith.constant 0 : i32
        %dma_wait3A_162 = tpu.memref_slice %arg9[%dma_wait3A_160, %dma_wait3A_161] : memref<256x64xf32, #tpu.memory_space<vmem>> -> memref<128x64xf32, #tpu.memory_space<vmem>>
        %dma_wait3A_163 = arith.constant 0 : i32
        %dma_wait3A_164 = arith.constant 0 : i32
        %dma_wait3A_165 = tpu.memref_slice %arg2[%arg0, %dma_wait3A_163, %dma_wait3A_164] : memref<2x10000x64xf32, #tpu.memory_space<hbm>> -> memref<1x10000x64xf32, #tpu.memory_space<hbm>>
        %dma_wait3A_166 = tpu.memref_squeeze %dma_wait3A_165 : memref<1x10000x64xf32, #tpu.memory_space<hbm>> -> memref<10000x64xf32, #tpu.memory_space<hbm>>
        %dma_wait3A_167 = arith.constant 0 : i32
        %dma_wait3A_168 = arith.constant 0 : i32
        %dma_wait3A_169 = tpu.memref_slice %dma_wait3A_166[%dma_wait3A_167, %dma_wait3A_168] : memref<10000x64xf32, #tpu.memory_space<hbm>> -> memref<128x64xf32, #tpu.memory_space<hbm>>
        tpu.wait_dma2 semaphore(%arg11 : memref<!tpu.dma_semaphore, #tpu.memory_space<semaphore_mem>>) src(%dma_wait3A_169 : memref<128x64xf32, #tpu.memory_space<hbm>>) dst(%dma_wait3A_162 : memref<128x64xf32, #tpu.memory_space<vmem>>)
        %dma_wait3A_170 = arith.constant 128 : i32
        %dma_wait3A_171 = arith.constant 0 : i32
        %dma_wait3A_172 = tpu.memref_slice %arg9[%dma_wait3A_170, %dma_wait3A_171] : memref<256x64xf32, #tpu.memory_space<vmem>> -> memref<128x64xf32, #tpu.memory_space<vmem>>
        %dma_wait3A_173 = arith.constant 0 : i32
        %dma_wait3A_174 = arith.constant 0 : i32
        %dma_wait3A_175 = tpu.memref_slice %arg2[%arg0, %dma_wait3A_173, %dma_wait3A_174] : memref<2x10000x64xf32, #tpu.memory_space<hbm>> -> memref<1x10000x64xf32, #tpu.memory_space<hbm>>
        %dma_wait3A_176 = tpu.memref_squeeze %dma_wait3A_175 : memref<1x10000x64xf32, #tpu.memory_space<hbm>> -> memref<10000x64xf32, #tpu.memory_space<hbm>>
        %dma_wait3A_177 = arith.constant 0 : i32
        %dma_wait3A_178 = arith.constant 0 : i32
        %dma_wait3A_179 = tpu.memref_slice %dma_wait3A_176[%dma_wait3A_177, %dma_wait3A_178] : memref<10000x64xf32, #tpu.memory_space<hbm>> -> memref<128x64xf32, #tpu.memory_space<hbm>>
        %dma_wait3A_180 = arith.constant 128 : i32
        %dma_wait3A_181 = arith.constant 0 : i32
        %dma_wait3A_182 = tpu.memref_slice %arg9[%dma_wait3A_180, %dma_wait3A_181] : memref<256x64xf32, #tpu.memory_space<vmem>> -> memref<128x64xf32, #tpu.memory_space<vmem>>
        %dma_wait3A_183 = arith.constant 0 : i32
        %dma_wait3A_184 = arith.constant 0 : i32
        %dma_wait3A_185 = tpu.memref_slice %arg2[%arg0, %dma_wait3A_183, %dma_wait3A_184] : memref<2x10000x64xf32, #tpu.memory_space<hbm>> -> memref<1x10000x64xf32, #tpu.memory_space<hbm>>
        %dma_wait3A_186 = tpu.memref_squeeze %dma_wait3A_185 : memref<1x10000x64xf32, #tpu.memory_space<hbm>> -> memref<10000x64xf32, #tpu.memory_space<hbm>>
        %dma_wait3A_187 = arith.constant 0 : i32
        %dma_wait3A_188 = arith.constant 0 : i32
        %dma_wait3A_189 = tpu.memref_slice %dma_wait3A_186[%dma_wait3A_187, %dma_wait3A_188] : memref<10000x64xf32, #tpu.memory_space<hbm>> -> memref<128x64xf32, #tpu.memory_space<hbm>>
        tpu.wait_dma2 semaphore(%arg11 : memref<!tpu.dma_semaphore, #tpu.memory_space<semaphore_mem>>) src(%dma_wait3A_189 : memref<128x64xf32, #tpu.memory_space<hbm>>) dst(%dma_wait3A_182 : memref<128x64xf32, #tpu.memory_space<vmem>>)
        %add3A_190 = arith.constant 1 : i32
        %add3A_191 = arith.addi %scan3A_117, %add3A_190 : i32
        %lt3A_192 = arith.constant 80 : i32
        %lt3A_193 = arith.cmpi slt, %add3A_191, %lt3A_192 : i32
        %convert_element_type3A_194 = arith.extui %lt3A_193 : i1 to i32
        %cond3A_195 = arith.constant 0 : i32
        %cond3A_196 = arith.cmpi ne, %convert_element_type3A_194, %cond3A_195 : i32
        scf.if %cond3A_196 {
          %ge3A = arith.constant 1 : i32
          %ge3A_223 = arith.cmpi sge, %scan3A_117, %ge3A : i32
          %convert_element_type3A_224 = arith.extui %ge3A_223 : i1 to i32
          %cond3A_225 = arith.constant 0 : i32
          %cond3A_226 = arith.cmpi ne, %convert_element_type3A_224, %cond3A_225 : i32
          scf.if %cond3A_226 {
            %dma_wait3A_263 = arith.constant 0 : i32
            %dma_wait3A_264 = arith.constant 0 : i32
            %dma_wait3A_265 = tpu.memref_slice %arg10[%dma_wait3A_263, %dma_wait3A_264] : memref<256x64xf32, #tpu.memory_space<vmem>> -> memref<128x64xf32, #tpu.memory_space<vmem>>
            %dma_wait3A_266 = arith.constant 0 : i32
            %dma_wait3A_267 = arith.constant 0 : i32
            %dma_wait3A_268 = tpu.memref_slice %arg2[%arg0, %dma_wait3A_266, %dma_wait3A_267] : memref<2x10000x64xf32, #tpu.memory_space<hbm>> -> memref<1x10000x64xf32, #tpu.memory_space<hbm>>
            %dma_wait3A_269 = tpu.memref_squeeze %dma_wait3A_268 : memref<1x10000x64xf32, #tpu.memory_space<hbm>> -> memref<10000x64xf32, #tpu.memory_space<hbm>>
            %dma_wait3A_270 = arith.constant 0 : i32
            %dma_wait3A_271 = arith.constant 0 : i32
            %dma_wait3A_272 = tpu.memref_slice %dma_wait3A_269[%dma_wait3A_270, %dma_wait3A_271] : memref<10000x64xf32, #tpu.memory_space<hbm>> -> memref<128x64xf32, #tpu.memory_space<hbm>>
            %dma_wait3A_273 = arith.constant 0 : i32
            %dma_wait3A_274 = arith.constant 0 : i32
            %dma_wait3A_275 = tpu.memref_slice %arg10[%dma_wait3A_273, %dma_wait3A_274] : memref<256x64xf32, #tpu.memory_space<vmem>> -> memref<128x64xf32, #tpu.memory_space<vmem>>
            %dma_wait3A_276 = arith.constant 0 : i32
            %dma_wait3A_277 = arith.constant 0 : i32
            %dma_wait3A_278 = tpu.memref_slice %arg2[%arg0, %dma_wait3A_276, %dma_wait3A_277] : memref<2x10000x64xf32, #tpu.memory_space<hbm>> -> memref<1x10000x64xf32, #tpu.memory_space<hbm>>
            %dma_wait3A_279 = tpu.memref_squeeze %dma_wait3A_278 : memref<1x10000x64xf32, #tpu.memory_space<hbm>> -> memref<10000x64xf32, #tpu.memory_space<hbm>>
            %dma_wait3A_280 = arith.constant 0 : i32
            %dma_wait3A_281 = arith.constant 0 : i32
            %dma_wait3A_282 = tpu.memref_slice %dma_wait3A_279[%dma_wait3A_280, %dma_wait3A_281] : memref<10000x64xf32, #tpu.memory_space<hbm>> -> memref<128x64xf32, #tpu.memory_space<hbm>>
            tpu.wait_dma2 semaphore(%arg12 : memref<!tpu.dma_semaphore, #tpu.memory_space<semaphore_mem>>) src(%dma_wait3A_282 : memref<128x64xf32, #tpu.memory_space<hbm>>) dst(%dma_wait3A_275 : memref<128x64xf32, #tpu.memory_space<vmem>>)
            %dma_wait3A_283 = arith.constant 128 : i32
            %dma_wait3A_284 = arith.constant 0 : i32
            %dma_wait3A_285 = tpu.memref_slice %arg10[%dma_wait3A_283, %dma_wait3A_284] : memref<256x64xf32, #tpu.memory_space<vmem>> -> memref<128x64xf32, #tpu.memory_space<vmem>>
            %dma_wait3A_286 = arith.constant 0 : i32
            %dma_wait3A_287 = arith.constant 0 : i32
            %dma_wait3A_288 = tpu.memref_slice %arg2[%arg0, %dma_wait3A_286, %dma_wait3A_287] : memref<2x10000x64xf32, #tpu.memory_space<hbm>> -> memref<1x10000x64xf32, #tpu.memory_space<hbm>>
            %dma_wait3A_289 = tpu.memref_squeeze %dma_wait3A_288 : memref<1x10000x64xf32, #tpu.memory_space<hbm>> -> memref<10000x64xf32, #tpu.memory_space<hbm>>
            %dma_wait3A_290 = arith.constant 0 : i32
            %dma_wait3A_291 = arith.constant 0 : i32
            %dma_wait3A_292 = tpu.memref_slice %dma_wait3A_289[%dma_wait3A_290, %dma_wait3A_291] : memref<10000x64xf32, #tpu.memory_space<hbm>> -> memref<128x64xf32, #tpu.memory_space<hbm>>
            %dma_wait3A_293 = arith.constant 128 : i32
            %dma_wait3A_294 = arith.constant 0 : i32
            %dma_wait3A_295 = tpu.memref_slice %arg10[%dma_wait3A_293, %dma_wait3A_294] : memref<256x64xf32, #tpu.memory_space<vmem>> -> memref<128x64xf32, #tpu.memory_space<vmem>>
            %dma_wait3A_296 = arith.constant 0 : i32
            %dma_wait3A_297 = arith.constant 0 : i32
            %dma_wait3A_298 = tpu.memref_slice %arg2[%arg0, %dma_wait3A_296, %dma_wait3A_297] : memref<2x10000x64xf32, #tpu.memory_space<hbm>> -> memref<1x10000x64xf32, #tpu.memory_space<hbm>>
            %dma_wait3A_299 = tpu.memref_squeeze %dma_wait3A_298 : memref<1x10000x64xf32, #tpu.memory_space<hbm>> -> memref<10000x64xf32, #tpu.memory_space<hbm>>
            %dma_wait3A_300 = arith.constant 0 : i32
            %dma_wait3A_301 = arith.constant 0 : i32
            %dma_wait3A_302 = tpu.memref_slice %dma_wait3A_299[%dma_wait3A_300, %dma_wait3A_301] : memref<10000x64xf32, #tpu.memory_space<hbm>> -> memref<128x64xf32, #tpu.memory_space<hbm>>
            tpu.wait_dma2 semaphore(%arg12 : memref<!tpu.dma_semaphore, #tpu.memory_space<semaphore_mem>>) src(%dma_wait3A_302 : memref<128x64xf32, #tpu.memory_space<hbm>>) dst(%dma_wait3A_295 : memref<128x64xf32, #tpu.memory_space<vmem>>)
          } else {
          }
          %add3A_227 = arith.constant 1 : i32
          %add3A_228 = arith.addi %scan3A_117, %add3A_227 : i32
          %mul3A_229 = arith.constant 2 : i32
          %mul3A_230 = arith.muli %mul3A_229, %add3A_228 : i32
          %add3A_231 = arith.constant 0 : i32
          %add3A_232 = arith.addi %mul3A_230, %add3A_231 : i32
          %dma_start3A_233 = arith.constant 0 : i32
          %dma_start3A_234 = arith.constant 0 : i32
          %dma_start3A_235 = tpu.memref_slice %arg10[%dma_start3A_233, %dma_start3A_234] : memref<256x64xf32, #tpu.memory_space<vmem>> -> memref<128x64xf32, #tpu.memory_space<vmem>>
          %dma_start3A_236 = arith.constant 0 : i32
          %dma_start3A_237 = tpu.memref_slice %arg7[%add3A_232, %dma_start3A_236] : memref<160x128xi32, #tpu.memory_space<vmem>> -> memref<1x128xi32, #tpu.memory_space<vmem>>
          %dma_start3A_238 = tpu.memref_squeeze %dma_start3A_237 : memref<1x128xi32, #tpu.memory_space<vmem>> -> memref<128xi32, #tpu.memory_space<vmem>>
          %dma_start3A_239 = arith.constant 0 : i32
          %dma_start3A_240 = arith.constant 0 : i32
          %dma_start3A_241 = tpu.memref_slice %arg2[%arg0, %dma_start3A_239, %dma_start3A_240] : memref<2x10000x64xf32, #tpu.memory_space<hbm>> -> memref<1x10000x64xf32, #tpu.memory_space<hbm>>
          %dma_start3A_242 = tpu.memref_squeeze %dma_start3A_241 : memref<1x10000x64xf32, #tpu.memory_space<hbm>> -> memref<10000x64xf32, #tpu.memory_space<hbm>>
          %dma_start3A_243 = arith.constant 0 : i32
          %dma_start3A_244 = arith.constant 0 : i32
          %dma_start3A_245 = tpu.memref_slice %dma_start3A_242[%dma_start3A_243, %dma_start3A_244] : memref<10000x64xf32, #tpu.memory_space<hbm>> -> memref<10000x64xf32, #tpu.memory_space<hbm>>
          tpu.enqueue_indirect_dma source(%dma_start3A_245 : memref<10000x64xf32, #tpu.memory_space<hbm>>) target(%dma_start3A_235 : memref<128x64xf32, #tpu.memory_space<vmem>>) offsets(%dma_start3A_238 : memref<128xi32, #tpu.memory_space<vmem>>) semaphore(%arg11 : memref<!tpu.dma_semaphore, #tpu.memory_space<semaphore_mem>>)
          %mul3A_246 = arith.constant 2 : i32
          %mul3A_247 = arith.muli %mul3A_246, %add3A_228 : i32
          %add3A_248 = arith.constant 1 : i32
          %add3A_249 = arith.addi %mul3A_247, %add3A_248 : i32
          %dma_start3A_250 = arith.constant 128 : i32
          %dma_start3A_251 = arith.constant 0 : i32
          %dma_start3A_252 = tpu.memref_slice %arg10[%dma_start3A_250, %dma_start3A_251] : memref<256x64xf32, #tpu.memory_space<vmem>> -> memref<128x64xf32, #tpu.memory_space<vmem>>
          %dma_start3A_253 = arith.constant 0 : i32
          %dma_start3A_254 = tpu.memref_slice %arg7[%add3A_249, %dma_start3A_253] : memref<160x128xi32, #tpu.memory_space<vmem>> -> memref<1x128xi32, #tpu.memory_space<vmem>>
          %dma_start3A_255 = tpu.memref_squeeze %dma_start3A_254 : memref<1x128xi32, #tpu.memory_space<vmem>> -> memref<128xi32, #tpu.memory_space<vmem>>
          %dma_start3A_256 = arith.constant 0 : i32
          %dma_start3A_257 = arith.constant 0 : i32
          %dma_start3A_258 = tpu.memref_slice %arg2[%arg0, %dma_start3A_256, %dma_start3A_257] : memref<2x10000x64xf32, #tpu.memory_space<hbm>> -> memref<1x10000x64xf32, #tpu.memory_space<hbm>>
          %dma_start3A_259 = tpu.memref_squeeze %dma_start3A_258 : memref<1x10000x64xf32, #tpu.memory_space<hbm>> -> memref<10000x64xf32, #tpu.memory_space<hbm>>
          %dma_start3A_260 = arith.constant 0 : i32
          %dma_start3A_261 = arith.constant 0 : i32
          %dma_start3A_262 = tpu.memref_slice %dma_start3A_259[%dma_start3A_260, %dma_start3A_261] : memref<10000x64xf32, #tpu.memory_space<hbm>> -> memref<10000x64xf32, #tpu.memory_space<hbm>>
          tpu.enqueue_indirect_dma source(%dma_start3A_262 : memref<10000x64xf32, #tpu.memory_space<hbm>>) target(%dma_start3A_252 : memref<128x64xf32, #tpu.memory_space<vmem>>) offsets(%dma_start3A_255 : memref<128xi32, #tpu.memory_space<vmem>>) semaphore(%arg11 : memref<!tpu.dma_semaphore, #tpu.memory_space<semaphore_mem>>)
        } else {
        }
        %mul3A_197 = arith.constant 2 : i32
        %mul3A_198 = arith.muli %mul3A_197, %scan3A_117 : i32
        %add3A_199 = arith.constant 0 : i32
        %add3A_200 = arith.addi %mul3A_198, %add3A_199 : i32
        %dma_start3A_201 = arith.constant 0 : i32
        %dma_start3A_202 = arith.constant 0 : i32
        %dma_start3A_203 = tpu.memref_slice %arg9[%dma_start3A_201, %dma_start3A_202] : memref<256x64xf32, #tpu.memory_space<vmem>> -> memref<128x64xf32, #tpu.memory_space<vmem>>
        %dma_start3A_204 = arith.constant 0 : i32
        %dma_start3A_205 = tpu.memref_slice %arg8[%add3A_200, %dma_start3A_204] : memref<160x128xi32, #tpu.memory_space<vmem>> -> memref<1x128xi32, #tpu.memory_space<vmem>>
        %dma_start3A_206 = tpu.memref_squeeze %dma_start3A_205 : memref<1x128xi32, #tpu.memory_space<vmem>> -> memref<128xi32, #tpu.memory_space<vmem>>
        %dma_start3A_207 = arith.constant 0 : i32
        %dma_start3A_208 = arith.constant 0 : i32
        %dma_start3A_209 = tpu.memref_slice %arg13[%dma_start3A_207, %dma_start3A_208] : memref<10112x64xf32, #tpu.memory_space<vmem_shared>> -> memref<10112x64xf32, #tpu.memory_space<vmem_shared>>
        tpu.enqueue_indirect_dma source(%dma_start3A_203 : memref<128x64xf32, #tpu.memory_space<vmem>>) target(%dma_start3A_209 : memref<10112x64xf32, #tpu.memory_space<vmem_shared>>) offsets(%dma_start3A_206 : memref<128xi32, #tpu.memory_space<vmem>>) semaphore(%arg12 : memref<!tpu.dma_semaphore, #tpu.memory_space<semaphore_mem>>) {add = true}
        %mul3A_210 = arith.constant 2 : i32
        %mul3A_211 = arith.muli %mul3A_210, %scan3A_117 : i32
        %add3A_212 = arith.constant 1 : i32
        %add3A_213 = arith.addi %mul3A_211, %add3A_212 : i32
        %dma_start3A_214 = arith.constant 128 : i32
        %dma_start3A_215 = arith.constant 0 : i32
        %dma_start3A_216 = tpu.memref_slice %arg9[%dma_start3A_214, %dma_start3A_215] : memref<256x64xf32, #tpu.memory_space<vmem>> -> memref<128x64xf32, #tpu.memory_space<vmem>>
        %dma_start3A_217 = arith.constant 0 : i32
        %dma_start3A_218 = tpu.memref_slice %arg8[%add3A_213, %dma_start3A_217] : memref<160x128xi32, #tpu.memory_space<vmem>> -> memref<1x128xi32, #tpu.memory_space<vmem>>
        %dma_start3A_219 = tpu.memref_squeeze %dma_start3A_218 : memref<1x128xi32, #tpu.memory_space<vmem>> -> memref<128xi32, #tpu.memory_space<vmem>>
        %dma_start3A_220 = arith.constant 0 : i32
        %dma_start3A_221 = arith.constant 0 : i32
        %dma_start3A_222 = tpu.memref_slice %arg13[%dma_start3A_220, %dma_start3A_221] : memref<10112x64xf32, #tpu.memory_space<vmem_shared>> -> memref<10112x64xf32, #tpu.memory_space<vmem_shared>>
        tpu.enqueue_indirect_dma source(%dma_start3A_216 : memref<128x64xf32, #tpu.memory_space<vmem>>) target(%dma_start3A_222 : memref<10112x64xf32, #tpu.memory_space<vmem_shared>>) offsets(%dma_start3A_219 : memref<128xi32, #tpu.memory_space<vmem>>) semaphore(%arg12 : memref<!tpu.dma_semaphore, #tpu.memory_space<semaphore_mem>>) {add = true}
      } else {
      }
      %jit3A_129 = arith.constant 2 : i32
      %eq3A_130 = arith.constant 0 : i32
      %eq3A_131 = arith.cmpi eq, %jit3A_129, %eq3A_130 : i32
      %jit3A_132 = arith.constant 1 : i32
      %select_n3A_133 = arith.select %eq3A_131, %jit3A_132, %jit3A_129 : i32
      %rem3A_134 = arith.remsi %scan3A_117, %select_n3A_133 : i32
      %ne3A_135 = arith.constant 0 : i32
      %ne3A_136 = arith.cmpi ne, %rem3A_134, %ne3A_135 : i32
      %lt3A_137 = arith.constant 0 : i32
      %lt3A_138 = arith.cmpi slt, %rem3A_134, %lt3A_137 : i32
      %lt3A_139 = arith.constant 0 : i32
      %lt3A_140 = arith.cmpi slt, %select_n3A_133, %lt3A_139 : i32
      %ne3A_141 = arith.xori %lt3A_138, %lt3A_140 : i1
      %and3A_142 = arith.andi %ne3A_141, %ne3A_136 : i1
      %add3A_143 = arith.addi %rem3A_134, %select_n3A_133 : i32
      %select_n3A_144 = arith.select %and3A_142, %add3A_143, %rem3A_134 : i32
      %eq3A_145 = arith.constant 1 : i32
      %eq3A_146 = arith.cmpi eq, %select_n3A_144, %eq3A_145 : i32
      %convert_element_type3A_147 = arith.extui %eq3A_146 : i1 to i32
      %cond3A_148 = arith.constant 0 : i32
      %cond3A_149 = arith.cmpi ne, %convert_element_type3A_147, %cond3A_148 : i32
      scf.if %cond3A_149 {
        %dma_wait3A_150 = arith.constant 0 : i32
        %dma_wait3A_151 = arith.constant 0 : i32
        %dma_wait3A_152 = tpu.memref_slice %arg10[%dma_wait3A_150, %dma_wait3A_151] : memref<256x64xf32, #tpu.memory_space<vmem>> -> memref<128x64xf32, #tpu.memory_space<vmem>>
        %dma_wait3A_153 = arith.constant 0 : i32
        %dma_wait3A_154 = arith.constant 0 : i32
        %dma_wait3A_155 = tpu.memref_slice %arg2[%arg0, %dma_wait3A_153, %dma_wait3A_154] : memref<2x10000x64xf32, #tpu.memory_space<hbm>> -> memref<1x10000x64xf32, #tpu.memory_space<hbm>>
        %dma_wait3A_156 = tpu.memref_squeeze %dma_wait3A_155 : memref<1x10000x64xf32, #tpu.memory_space<hbm>> -> memref<10000x64xf32, #tpu.memory_space<hbm>>
        %dma_wait3A_157 = arith.constant 0 : i32
        %dma_wait3A_158 = arith.constant 0 : i32
        %dma_wait3A_159 = tpu.memref_slice %dma_wait3A_156[%dma_wait3A_157, %dma_wait3A_158] : memref<10000x64xf32, #tpu.memory_space<hbm>> -> memref<128x64xf32, #tpu.memory_space<hbm>>
        %dma_wait3A_160 = arith.constant 0 : i32
        %dma_wait3A_161 = arith.constant 0 : i32
        %dma_wait3A_162 = tpu.memref_slice %arg10[%dma_wait3A_160, %dma_wait3A_161] : memref<256x64xf32, #tpu.memory_space<vmem>> -> memref<128x64xf32, #tpu.memory_space<vmem>>
        %dma_wait3A_163 = arith.constant 0 : i32
        %dma_wait3A_164 = arith.constant 0 : i32
        %dma_wait3A_165 = tpu.memref_slice %arg2[%arg0, %dma_wait3A_163, %dma_wait3A_164] : memref<2x10000x64xf32, #tpu.memory_space<hbm>> -> memref<1x10000x64xf32, #tpu.memory_space<hbm>>
        %dma_wait3A_166 = tpu.memref_squeeze %dma_wait3A_165 : memref<1x10000x64xf32, #tpu.memory_space<hbm>> -> memref<10000x64xf32, #tpu.memory_space<hbm>>
        %dma_wait3A_167 = arith.constant 0 : i32
        %dma_wait3A_168 = arith.constant 0 : i32
        %dma_wait3A_169 = tpu.memref_slice %dma_wait3A_166[%dma_wait3A_167, %dma_wait3A_168] : memref<10000x64xf32, #tpu.memory_space<hbm>> -> memref<128x64xf32, #tpu.memory_space<hbm>>
        tpu.wait_dma2 semaphore(%arg11 : memref<!tpu.dma_semaphore, #tpu.memory_space<semaphore_mem>>) src(%dma_wait3A_169 : memref<128x64xf32, #tpu.memory_space<hbm>>) dst(%dma_wait3A_162 : memref<128x64xf32, #tpu.memory_space<vmem>>)
        %dma_wait3A_170 = arith.constant 128 : i32
        %dma_wait3A_171 = arith.constant 0 : i32
        %dma_wait3A_172 = tpu.memref_slice %arg10[%dma_wait3A_170, %dma_wait3A_171] : memref<256x64xf32, #tpu.memory_space<vmem>> -> memref<128x64xf32, #tpu.memory_space<vmem>>
        %dma_wait3A_173 = arith.constant 0 : i32
        %dma_wait3A_174 = arith.constant 0 : i32
        %dma_wait3A_175 = tpu.memref_slice %arg2[%arg0, %dma_wait3A_173, %dma_wait3A_174] : memref<2x10000x64xf32, #tpu.memory_space<hbm>> -> memref<1x10000x64xf32, #tpu.memory_space<hbm>>
        %dma_wait3A_176 = tpu.memref_squeeze %dma_wait3A_175 : memref<1x10000x64xf32, #tpu.memory_space<hbm>> -> memref<10000x64xf32, #tpu.memory_space<hbm>>
        %dma_wait3A_177 = arith.constant 0 : i32
        %dma_wait3A_178 = arith.constant 0 : i32
        %dma_wait3A_179 = tpu.memref_slice %dma_wait3A_176[%dma_wait3A_177, %dma_wait3A_178] : memref<10000x64xf32, #tpu.memory_space<hbm>> -> memref<128x64xf32, #tpu.memory_space<hbm>>
        %dma_wait3A_180 = arith.constant 128 : i32
        %dma_wait3A_181 = arith.constant 0 : i32
        %dma_wait3A_182 = tpu.memref_slice %arg10[%dma_wait3A_180, %dma_wait3A_181] : memref<256x64xf32, #tpu.memory_space<vmem>> -> memref<128x64xf32, #tpu.memory_space<vmem>>
        %dma_wait3A_183 = arith.constant 0 : i32
        %dma_wait3A_184 = arith.constant 0 : i32
        %dma_wait3A_185 = tpu.memref_slice %arg2[%arg0, %dma_wait3A_183, %dma_wait3A_184] : memref<2x10000x64xf32, #tpu.memory_space<hbm>> -> memref<1x10000x64xf32, #tpu.memory_space<hbm>>
        %dma_wait3A_186 = tpu.memref_squeeze %dma_wait3A_185 : memref<1x10000x64xf32, #tpu.memory_space<hbm>> -> memref<10000x64xf32, #tpu.memory_space<hbm>>
        %dma_wait3A_187 = arith.constant 0 : i32
        %dma_wait3A_188 = arith.constant 0 : i32
        %dma_wait3A_189 = tpu.memref_slice %dma_wait3A_186[%dma_wait3A_187, %dma_wait3A_188] : memref<10000x64xf32, #tpu.memory_space<hbm>> -> memref<128x64xf32, #tpu.memory_space<hbm>>
        tpu.wait_dma2 semaphore(%arg11 : memref<!tpu.dma_semaphore, #tpu.memory_space<semaphore_mem>>) src(%dma_wait3A_189 : memref<128x64xf32, #tpu.memory_space<hbm>>) dst(%dma_wait3A_182 : memref<128x64xf32, #tpu.memory_space<vmem>>)
        %add3A_190 = arith.constant 1 : i32
        %add3A_191 = arith.addi %scan3A_117, %add3A_190 : i32
        %lt3A_192 = arith.constant 80 : i32
        %lt3A_193 = arith.cmpi slt, %add3A_191, %lt3A_192 : i32
        %convert_element_type3A_194 = arith.extui %lt3A_193 : i1 to i32
        %cond3A_195 = arith.constant 0 : i32
        %cond3A_196 = arith.cmpi ne, %convert_element_type3A_194, %cond3A_195 : i32
        scf.if %cond3A_196 {
          %ge3A = arith.constant 1 : i32
          %ge3A_223 = arith.cmpi sge, %scan3A_117, %ge3A : i32
          %convert_element_type3A_224 = arith.extui %ge3A_223 : i1 to i32
          %cond3A_225 = arith.constant 0 : i32
          %cond3A_226 = arith.cmpi ne, %convert_element_type3A_224, %cond3A_225 : i32
          scf.if %cond3A_226 {
            %dma_wait3A_263 = arith.constant 0 : i32
            %dma_wait3A_264 = arith.constant 0 : i32
            %dma_wait3A_265 = tpu.memref_slice %arg9[%dma_wait3A_263, %dma_wait3A_264] : memref<256x64xf32, #tpu.memory_space<vmem>> -> memref<128x64xf32, #tpu.memory_space<vmem>>
            %dma_wait3A_266 = arith.constant 0 : i32
            %dma_wait3A_267 = arith.constant 0 : i32
            %dma_wait3A_268 = tpu.memref_slice %arg2[%arg0, %dma_wait3A_266, %dma_wait3A_267] : memref<2x10000x64xf32, #tpu.memory_space<hbm>> -> memref<1x10000x64xf32, #tpu.memory_space<hbm>>
            %dma_wait3A_269 = tpu.memref_squeeze %dma_wait3A_268 : memref<1x10000x64xf32, #tpu.memory_space<hbm>> -> memref<10000x64xf32, #tpu.memory_space<hbm>>
            %dma_wait3A_270 = arith.constant 0 : i32
            %dma_wait3A_271 = arith.constant 0 : i32
            %dma_wait3A_272 = tpu.memref_slice %dma_wait3A_269[%dma_wait3A_270, %dma_wait3A_271] : memref<10000x64xf32, #tpu.memory_space<hbm>> -> memref<128x64xf32, #tpu.memory_space<hbm>>
            %dma_wait3A_273 = arith.constant 0 : i32
            %dma_wait3A_274 = arith.constant 0 : i32
            %dma_wait3A_275 = tpu.memref_slice %arg9[%dma_wait3A_273, %dma_wait3A_274] : memref<256x64xf32, #tpu.memory_space<vmem>> -> memref<128x64xf32, #tpu.memory_space<vmem>>
            %dma_wait3A_276 = arith.constant 0 : i32
            %dma_wait3A_277 = arith.constant 0 : i32
            %dma_wait3A_278 = tpu.memref_slice %arg2[%arg0, %dma_wait3A_276, %dma_wait3A_277] : memref<2x10000x64xf32, #tpu.memory_space<hbm>> -> memref<1x10000x64xf32, #tpu.memory_space<hbm>>
            %dma_wait3A_279 = tpu.memref_squeeze %dma_wait3A_278 : memref<1x10000x64xf32, #tpu.memory_space<hbm>> -> memref<10000x64xf32, #tpu.memory_space<hbm>>
            %dma_wait3A_280 = arith.constant 0 : i32
            %dma_wait3A_281 = arith.constant 0 : i32
            %dma_wait3A_282 = tpu.memref_slice %dma_wait3A_279[%dma_wait3A_280, %dma_wait3A_281] : memref<10000x64xf32, #tpu.memory_space<hbm>> -> memref<128x64xf32, #tpu.memory_space<hbm>>
            tpu.wait_dma2 semaphore(%arg12 : memref<!tpu.dma_semaphore, #tpu.memory_space<semaphore_mem>>) src(%dma_wait3A_282 : memref<128x64xf32, #tpu.memory_space<hbm>>) dst(%dma_wait3A_275 : memref<128x64xf32, #tpu.memory_space<vmem>>)
            %dma_wait3A_283 = arith.constant 128 : i32
            %dma_wait3A_284 = arith.constant 0 : i32
            %dma_wait3A_285 = tpu.memref_slice %arg9[%dma_wait3A_283, %dma_wait3A_284] : memref<256x64xf32, #tpu.memory_space<vmem>> -> memref<128x64xf32, #tpu.memory_space<vmem>>
            %dma_wait3A_286 = arith.constant 0 : i32
            %dma_wait3A_287 = arith.constant 0 : i32
            %dma_wait3A_288 = tpu.memref_slice %arg2[%arg0, %dma_wait3A_286, %dma_wait3A_287] : memref<2x10000x64xf32, #tpu.memory_space<hbm>> -> memref<1x10000x64xf32, #tpu.memory_space<hbm>>
            %dma_wait3A_289 = tpu.memref_squeeze %dma_wait3A_288 : memref<1x10000x64xf32, #tpu.memory_space<hbm>> -> memref<10000x64xf32, #tpu.memory_space<hbm>>
            %dma_wait3A_290 = arith.constant 0 : i32
            %dma_wait3A_291 = arith.constant 0 : i32
            %dma_wait3A_292 = tpu.memref_slice %dma_wait3A_289[%dma_wait3A_290, %dma_wait3A_291] : memref<10000x64xf32, #tpu.memory_space<hbm>> -> memref<128x64xf32, #tpu.memory_space<hbm>>
            %dma_wait3A_293 = arith.constant 128 : i32
            %dma_wait3A_294 = arith.constant 0 : i32
            %dma_wait3A_295 = tpu.memref_slice %arg9[%dma_wait3A_293, %dma_wait3A_294] : memref<256x64xf32, #tpu.memory_space<vmem>> -> memref<128x64xf32, #tpu.memory_space<vmem>>
            %dma_wait3A_296 = arith.constant 0 : i32
            %dma_wait3A_297 = arith.constant 0 : i32
            %dma_wait3A_298 = tpu.memref_slice %arg2[%arg0, %dma_wait3A_296, %dma_wait3A_297] : memref<2x10000x64xf32, #tpu.memory_space<hbm>> -> memref<1x10000x64xf32, #tpu.memory_space<hbm>>
            %dma_wait3A_299 = tpu.memref_squeeze %dma_wait3A_298 : memref<1x10000x64xf32, #tpu.memory_space<hbm>> -> memref<10000x64xf32, #tpu.memory_space<hbm>>
            %dma_wait3A_300 = arith.constant 0 : i32
            %dma_wait3A_301 = arith.constant 0 : i32
            %dma_wait3A_302 = tpu.memref_slice %dma_wait3A_299[%dma_wait3A_300, %dma_wait3A_301] : memref<10000x64xf32, #tpu.memory_space<hbm>> -> memref<128x64xf32, #tpu.memory_space<hbm>>
            tpu.wait_dma2 semaphore(%arg12 : memref<!tpu.dma_semaphore, #tpu.memory_space<semaphore_mem>>) src(%dma_wait3A_302 : memref<128x64xf32, #tpu.memory_space<hbm>>) dst(%dma_wait3A_295 : memref<128x64xf32, #tpu.memory_space<vmem>>)
          } else {
          }
          %add3A_227 = arith.constant 1 : i32
          %add3A_228 = arith.addi %scan3A_117, %add3A_227 : i32
          %mul3A_229 = arith.constant 2 : i32
          %mul3A_230 = arith.muli %mul3A_229, %add3A_228 : i32
          %add3A_231 = arith.constant 0 : i32
          %add3A_232 = arith.addi %mul3A_230, %add3A_231 : i32
          %dma_start3A_233 = arith.constant 0 : i32
          %dma_start3A_234 = arith.constant 0 : i32
          %dma_start3A_235 = tpu.memref_slice %arg9[%dma_start3A_233, %dma_start3A_234] : memref<256x64xf32, #tpu.memory_space<vmem>> -> memref<128x64xf32, #tpu.memory_space<vmem>>
          %dma_start3A_236 = arith.constant 0 : i32
          %dma_start3A_237 = tpu.memref_slice %arg7[%add3A_232, %dma_start3A_236] : memref<160x128xi32, #tpu.memory_space<vmem>> -> memref<1x128xi32, #tpu.memory_space<vmem>>
          %dma_start3A_238 = tpu.memref_squeeze %dma_start3A_237 : memref<1x128xi32, #tpu.memory_space<vmem>> -> memref<128xi32, #tpu.memory_space<vmem>>
          %dma_start3A_239 = arith.constant 0 : i32
          %dma_start3A_240 = arith.constant 0 : i32
          %dma_start3A_241 = tpu.memref_slice %arg2[%arg0, %dma_start3A_239, %dma_start3A_240] : memref<2x10000x64xf32, #tpu.memory_space<hbm>> -> memref<1x10000x64xf32, #tpu.memory_space<hbm>>
          %dma_start3A_242 = tpu.memref_squeeze %dma_start3A_241 : memref<1x10000x64xf32, #tpu.memory_space<hbm>> -> memref<10000x64xf32, #tpu.memory_space<hbm>>
          %dma_start3A_243 = arith.constant 0 : i32
          %dma_start3A_244 = arith.constant 0 : i32
          %dma_start3A_245 = tpu.memref_slice %dma_start3A_242[%dma_start3A_243, %dma_start3A_244] : memref<10000x64xf32, #tpu.memory_space<hbm>> -> memref<10000x64xf32, #tpu.memory_space<hbm>>
          tpu.enqueue_indirect_dma source(%dma_start3A_245 : memref<10000x64xf32, #tpu.memory_space<hbm>>) target(%dma_start3A_235 : memref<128x64xf32, #tpu.memory_space<vmem>>) offsets(%dma_start3A_238 : memref<128xi32, #tpu.memory_space<vmem>>) semaphore(%arg11 : memref<!tpu.dma_semaphore, #tpu.memory_space<semaphore_mem>>)
          %mul3A_246 = arith.constant 2 : i32
          %mul3A_247 = arith.muli %mul3A_246, %add3A_228 : i32
          %add3A_248 = arith.constant 1 : i32
          %add3A_249 = arith.addi %mul3A_247, %add3A_248 : i32
          %dma_start3A_250 = arith.constant 128 : i32
          %dma_start3A_251 = arith.constant 0 : i32
          %dma_start3A_252 = tpu.memref_slice %arg9[%dma_start3A_250, %dma_start3A_251] : memref<256x64xf32, #tpu.memory_space<vmem>> -> memref<128x64xf32, #tpu.memory_space<vmem>>
          %dma_start3A_253 = arith.constant 0 : i32
          %dma_start3A_254 = tpu.memref_slice %arg7[%add3A_249, %dma_start3A_253] : memref<160x128xi32, #tpu.memory_space<vmem>> -> memref<1x128xi32, #tpu.memory_space<vmem>>
          %dma_start3A_255 = tpu.memref_squeeze %dma_start3A_254 : memref<1x128xi32, #tpu.memory_space<vmem>> -> memref<128xi32, #tpu.memory_space<vmem>>
          %dma_start3A_256 = arith.constant 0 : i32
          %dma_start3A_257 = arith.constant 0 : i32
          %dma_start3A_258 = tpu.memref_slice %arg2[%arg0, %dma_start3A_256, %dma_start3A_257] : memref<2x10000x64xf32, #tpu.memory_space<hbm>> -> memref<1x10000x64xf32, #tpu.memory_space<hbm>>
          %dma_start3A_259 = tpu.memref_squeeze %dma_start3A_258 : memref<1x10000x64xf32, #tpu.memory_space<hbm>> -> memref<10000x64xf32, #tpu.memory_space<hbm>>
          %dma_start3A_260 = arith.constant 0 : i32
          %dma_start3A_261 = arith.constant 0 : i32
          %dma_start3A_262 = tpu.memref_slice %dma_start3A_259[%dma_start3A_260, %dma_start3A_261] : memref<10000x64xf32, #tpu.memory_space<hbm>> -> memref<10000x64xf32, #tpu.memory_space<hbm>>
          tpu.enqueue_indirect_dma source(%dma_start3A_262 : memref<10000x64xf32, #tpu.memory_space<hbm>>) target(%dma_start3A_252 : memref<128x64xf32, #tpu.memory_space<vmem>>) offsets(%dma_start3A_255 : memref<128xi32, #tpu.memory_space<vmem>>) semaphore(%arg11 : memref<!tpu.dma_semaphore, #tpu.memory_space<semaphore_mem>>)
        } else {
        }
        %mul3A_197 = arith.constant 2 : i32
        %mul3A_198 = arith.muli %mul3A_197, %scan3A_117 : i32
        %add3A_199 = arith.constant 0 : i32
        %add3A_200 = arith.addi %mul3A_198, %add3A_199 : i32
        %dma_start3A_201 = arith.constant 0 : i32
        %dma_start3A_202 = arith.constant 0 : i32
        %dma_start3A_203 = tpu.memref_slice %arg10[%dma_start3A_201, %dma_start3A_202] : memref<256x64xf32, #tpu.memory_space<vmem>> -> memref<128x64xf32, #tpu.memory_space<vmem>>
        %dma_start3A_204 = arith.constant 0 : i32
        %dma_start3A_205 = tpu.memref_slice %arg8[%add3A_200, %dma_start3A_204] : memref<160x128xi32, #tpu.memory_space<vmem>> -> memref<1x128xi32, #tpu.memory_space<vmem>>
        %dma_start3A_206 = tpu.memref_squeeze %dma_start3A_205 : memref<1x128xi32, #tpu.memory_space<vmem>> -> memref<128xi32, #tpu.memory_space<vmem>>
        %dma_start3A_207 = arith.constant 0 : i32
        %dma_start3A_208 = arith.constant 0 : i32
        %dma_start3A_209 = tpu.memref_slice %arg13[%dma_start3A_207, %dma_start3A_208] : memref<10112x64xf32, #tpu.memory_space<vmem_shared>> -> memref<10112x64xf32, #tpu.memory_space<vmem_shared>>
        tpu.enqueue_indirect_dma source(%dma_start3A_203 : memref<128x64xf32, #tpu.memory_space<vmem>>) target(%dma_start3A_209 : memref<10112x64xf32, #tpu.memory_space<vmem_shared>>) offsets(%dma_start3A_206 : memref<128xi32, #tpu.memory_space<vmem>>) semaphore(%arg12 : memref<!tpu.dma_semaphore, #tpu.memory_space<semaphore_mem>>) {add = true}
        %mul3A_210 = arith.constant 2 : i32
        %mul3A_211 = arith.muli %mul3A_210, %scan3A_117 : i32
        %add3A_212 = arith.constant 1 : i32
        %add3A_213 = arith.addi %mul3A_211, %add3A_212 : i32
        %dma_start3A_214 = arith.constant 128 : i32
        %dma_start3A_215 = arith.constant 0 : i32
        %dma_start3A_216 = tpu.memref_slice %arg10[%dma_start3A_214, %dma_start3A_215] : memref<256x64xf32, #tpu.memory_space<vmem>> -> memref<128x64xf32, #tpu.memory_space<vmem>>
        %dma_start3A_217 = arith.constant 0 : i32
        %dma_start3A_218 = tpu.memref_slice %arg8[%add3A_213, %dma_start3A_217] : memref<160x128xi32, #tpu.memory_space<vmem>> -> memref<1x128xi32, #tpu.memory_space<vmem>>
        %dma_start3A_219 = tpu.memref_squeeze %dma_start3A_218 : memref<1x128xi32, #tpu.memory_space<vmem>> -> memref<128xi32, #tpu.memory_space<vmem>>
        %dma_start3A_220 = arith.constant 0 : i32
        %dma_start3A_221 = arith.constant 0 : i32
        %dma_start3A_222 = tpu.memref_slice %arg13[%dma_start3A_220, %dma_start3A_221] : memref<10112x64xf32, #tpu.memory_space<vmem_shared>> -> memref<10112x64xf32, #tpu.memory_space<vmem_shared>>
        tpu.enqueue_indirect_dma source(%dma_start3A_216 : memref<128x64xf32, #tpu.memory_space<vmem>>) target(%dma_start3A_222 : memref<10112x64xf32, #tpu.memory_space<vmem_shared>>) offsets(%dma_start3A_219 : memref<128xi32, #tpu.memory_space<vmem>>) semaphore(%arg12 : memref<!tpu.dma_semaphore, #tpu.memory_space<semaphore_mem>>) {add = true}
      } else {
      }
    }
    %scan3A_32 = arith.constant 80 : i32
    %dma_wait3A = arith.constant 0 : i32
    %dma_wait3A_33 = arith.constant 0 : i32
    %dma_wait3A_34 = tpu.memref_slice %arg9[%dma_wait3A, %dma_wait3A_33] : memref<256x64xf32, #tpu.memory_space<vmem>> -> memref<128x64xf32, #tpu.memory_space<vmem>>
    %dma_wait3A_35 = arith.constant 0 : i32
    %dma_wait3A_36 = arith.constant 0 : i32
    %dma_wait3A_37 = tpu.memref_slice %arg2[%arg0, %dma_wait3A_35, %dma_wait3A_36] : memref<2x10000x64xf32, #tpu.memory_space<hbm>> -> memref<1x10000x64xf32, #tpu.memory_space<hbm>>
    %dma_wait3A_38 = tpu.memref_squeeze %dma_wait3A_37 : memref<1x10000x64xf32, #tpu.memory_space<hbm>> -> memref<10000x64xf32, #tpu.memory_space<hbm>>
    %dma_wait3A_39 = arith.constant 0 : i32
    %dma_wait3A_40 = arith.constant 0 : i32
    %dma_wait3A_41 = tpu.memref_slice %dma_wait3A_38[%dma_wait3A_39, %dma_wait3A_40] : memref<10000x64xf32, #tpu.memory_space<hbm>> -> memref<128x64xf32, #tpu.memory_space<hbm>>
    %dma_wait3A_42 = arith.constant 0 : i32
    %dma_wait3A_43 = arith.constant 0 : i32
    %dma_wait3A_44 = tpu.memref_slice %arg9[%dma_wait3A_42, %dma_wait3A_43] : memref<256x64xf32, #tpu.memory_space<vmem>> -> memref<128x64xf32, #tpu.memory_space<vmem>>
    %dma_wait3A_45 = arith.constant 0 : i32
    %dma_wait3A_46 = arith.constant 0 : i32
    %dma_wait3A_47 = tpu.memref_slice %arg2[%arg0, %dma_wait3A_45, %dma_wait3A_46] : memref<2x10000x64xf32, #tpu.memory_space<hbm>> -> memref<1x10000x64xf32, #tpu.memory_space<hbm>>
    %dma_wait3A_48 = tpu.memref_squeeze %dma_wait3A_47 : memref<1x10000x64xf32, #tpu.memory_space<hbm>> -> memref<10000x64xf32, #tpu.memory_space<hbm>>
    %dma_wait3A_49 = arith.constant 0 : i32
    %dma_wait3A_50 = arith.constant 0 : i32
    %dma_wait3A_51 = tpu.memref_slice %dma_wait3A_48[%dma_wait3A_49, %dma_wait3A_50] : memref<10000x64xf32, #tpu.memory_space<hbm>> -> memref<128x64xf32, #tpu.memory_space<hbm>>
    tpu.wait_dma2 semaphore(%arg12 : memref<!tpu.dma_semaphore, #tpu.memory_space<semaphore_mem>>) src(%dma_wait3A_51 : memref<128x64xf32, #tpu.memory_space<hbm>>) dst(%dma_wait3A_44 : memref<128x64xf32, #tpu.memory_space<vmem>>)
    %dma_wait3A_52 = arith.constant 128 : i32
    %dma_wait3A_53 = arith.constant 0 : i32
    %dma_wait3A_54 = tpu.memref_slice %arg9[%dma_wait3A_52, %dma_wait3A_53] : memref<256x64xf32, #tpu.memory_space<vmem>> -> memref<128x64xf32, #tpu.memory_space<vmem>>
    %dma_wait3A_55 = arith.constant 0 : i32
    %dma_wait3A_56 = arith.constant 0 : i32
    %dma_wait3A_57 = tpu.memref_slice %arg2[%arg0, %dma_wait3A_55, %dma_wait3A_56] : memref<2x10000x64xf32, #tpu.memory_space<hbm>> -> memref<1x10000x64xf32, #tpu.memory_space<hbm>>
    %dma_wait3A_58 = tpu.memref_squeeze %dma_wait3A_57 : memref<1x10000x64xf32, #tpu.memory_space<hbm>> -> memref<10000x64xf32, #tpu.memory_space<hbm>>
    %dma_wait3A_59 = arith.constant 0 : i32
    %dma_wait3A_60 = arith.constant 0 : i32
    %dma_wait3A_61 = tpu.memref_slice %dma_wait3A_58[%dma_wait3A_59, %dma_wait3A_60] : memref<10000x64xf32, #tpu.memory_space<hbm>> -> memref<128x64xf32, #tpu.memory_space<hbm>>
    %dma_wait3A_62 = arith.constant 128 : i32
    %dma_wait3A_63 = arith.constant 0 : i32
    %dma_wait3A_64 = tpu.memref_slice %arg9[%dma_wait3A_62, %dma_wait3A_63] : memref<256x64xf32, #tpu.memory_space<vmem>> -> memref<128x64xf32, #tpu.memory_space<vmem>>
    %dma_wait3A_65 = arith.constant 0 : i32
    %dma_wait3A_66 = arith.constant 0 : i32
    %dma_wait3A_67 = tpu.memref_slice %arg2[%arg0, %dma_wait3A_65, %dma_wait3A_66] : memref<2x10000x64xf32, #tpu.memory_space<hbm>> -> memref<1x10000x64xf32, #tpu.memory_space<hbm>>
    %dma_wait3A_68 = tpu.memref_squeeze %dma_wait3A_67 : memref<1x10000x64xf32, #tpu.memory_space<hbm>> -> memref<10000x64xf32, #tpu.memory_space<hbm>>
    %dma_wait3A_69 = arith.constant 0 : i32
    %dma_wait3A_70 = arith.constant 0 : i32
    %dma_wait3A_71 = tpu.memref_slice %dma_wait3A_68[%dma_wait3A_69, %dma_wait3A_70] : memref<10000x64xf32, #tpu.memory_space<hbm>> -> memref<128x64xf32, #tpu.memory_space<hbm>>
    tpu.wait_dma2 semaphore(%arg12 : memref<!tpu.dma_semaphore, #tpu.memory_space<semaphore_mem>>) src(%dma_wait3A_71 : memref<128x64xf32, #tpu.memory_space<hbm>>) dst(%dma_wait3A_64 : memref<128x64xf32, #tpu.memory_space<vmem>>)
    %dma_wait3A_72 = arith.constant 0 : i32
    %dma_wait3A_73 = arith.constant 0 : i32
    %dma_wait3A_74 = tpu.memref_slice %arg10[%dma_wait3A_72, %dma_wait3A_73] : memref<256x64xf32, #tpu.memory_space<vmem>> -> memref<128x64xf32, #tpu.memory_space<vmem>>
    %dma_wait3A_75 = arith.constant 0 : i32
    %dma_wait3A_76 = arith.constant 0 : i32
    %dma_wait3A_77 = tpu.memref_slice %arg2[%arg0, %dma_wait3A_75, %dma_wait3A_76] : memref<2x10000x64xf32, #tpu.memory_space<hbm>> -> memref<1x10000x64xf32, #tpu.memory_space<hbm>>
    %dma_wait3A_78 = tpu.memref_squeeze %dma_wait3A_77 : memref<1x10000x64xf32, #tpu.memory_space<hbm>> -> memref<10000x64xf32, #tpu.memory_space<hbm>>
    %dma_wait3A_79 = arith.constant 0 : i32
    %dma_wait3A_80 = arith.constant 0 : i32
    %dma_wait3A_81 = tpu.memref_slice %dma_wait3A_78[%dma_wait3A_79, %dma_wait3A_80] : memref<10000x64xf32, #tpu.memory_space<hbm>> -> memref<128x64xf32, #tpu.memory_space<hbm>>
    %dma_wait3A_82 = arith.constant 0 : i32
    %dma_wait3A_83 = arith.constant 0 : i32
    %dma_wait3A_84 = tpu.memref_slice %arg10[%dma_wait3A_82, %dma_wait3A_83] : memref<256x64xf32, #tpu.memory_space<vmem>> -> memref<128x64xf32, #tpu.memory_space<vmem>>
    %dma_wait3A_85 = arith.constant 0 : i32
    %dma_wait3A_86 = arith.constant 0 : i32
    %dma_wait3A_87 = tpu.memref_slice %arg2[%arg0, %dma_wait3A_85, %dma_wait3A_86] : memref<2x10000x64xf32, #tpu.memory_space<hbm>> -> memref<1x10000x64xf32, #tpu.memory_space<hbm>>
    %dma_wait3A_88 = tpu.memref_squeeze %dma_wait3A_87 : memref<1x10000x64xf32, #tpu.memory_space<hbm>> -> memref<10000x64xf32, #tpu.memory_space<hbm>>
    %dma_wait3A_89 = arith.constant 0 : i32
    %dma_wait3A_90 = arith.constant 0 : i32
    %dma_wait3A_91 = tpu.memref_slice %dma_wait3A_88[%dma_wait3A_89, %dma_wait3A_90] : memref<10000x64xf32, #tpu.memory_space<hbm>> -> memref<128x64xf32, #tpu.memory_space<hbm>>
    tpu.wait_dma2 semaphore(%arg12 : memref<!tpu.dma_semaphore, #tpu.memory_space<semaphore_mem>>) src(%dma_wait3A_91 : memref<128x64xf32, #tpu.memory_space<hbm>>) dst(%dma_wait3A_84 : memref<128x64xf32, #tpu.memory_space<vmem>>)
    %dma_wait3A_92 = arith.constant 128 : i32
    %dma_wait3A_93 = arith.constant 0 : i32
    %dma_wait3A_94 = tpu.memref_slice %arg10[%dma_wait3A_92, %dma_wait3A_93] : memref<256x64xf32, #tpu.memory_space<vmem>> -> memref<128x64xf32, #tpu.memory_space<vmem>>
    %dma_wait3A_95 = arith.constant 0 : i32
    %dma_wait3A_96 = arith.constant 0 : i32
    %dma_wait3A_97 = tpu.memref_slice %arg2[%arg0, %dma_wait3A_95, %dma_wait3A_96] : memref<2x10000x64xf32, #tpu.memory_space<hbm>> -> memref<1x10000x64xf32, #tpu.memory_space<hbm>>
    %dma_wait3A_98 = tpu.memref_squeeze %dma_wait3A_97 : memref<1x10000x64xf32, #tpu.memory_space<hbm>> -> memref<10000x64xf32, #tpu.memory_space<hbm>>
    %dma_wait3A_99 = arith.constant 0 : i32
    %dma_wait3A_100 = arith.constant 0 : i32
    %dma_wait3A_101 = tpu.memref_slice %dma_wait3A_98[%dma_wait3A_99, %dma_wait3A_100] : memref<10000x64xf32, #tpu.memory_space<hbm>> -> memref<128x64xf32, #tpu.memory_space<hbm>>
    %dma_wait3A_102 = arith.constant 128 : i32
    %dma_wait3A_103 = arith.constant 0 : i32
    %dma_wait3A_104 = tpu.memref_slice %arg10[%dma_wait3A_102, %dma_wait3A_103] : memref<256x64xf32, #tpu.memory_space<vmem>> -> memref<128x64xf32, #tpu.memory_space<vmem>>
    %dma_wait3A_105 = arith.constant 0 : i32
    %dma_wait3A_106 = arith.constant 0 : i32
    %dma_wait3A_107 = tpu.memref_slice %arg2[%arg0, %dma_wait3A_105, %dma_wait3A_106] : memref<2x10000x64xf32, #tpu.memory_space<hbm>> -> memref<1x10000x64xf32, #tpu.memory_space<hbm>>
    %dma_wait3A_108 = tpu.memref_squeeze %dma_wait3A_107 : memref<1x10000x64xf32, #tpu.memory_space<hbm>> -> memref<10000x64xf32, #tpu.memory_space<hbm>>
    %dma_wait3A_109 = arith.constant 0 : i32
    %dma_wait3A_110 = arith.constant 0 : i32
    %dma_wait3A_111 = tpu.memref_slice %dma_wait3A_108[%dma_wait3A_109, %dma_wait3A_110] : memref<10000x64xf32, #tpu.memory_space<hbm>> -> memref<128x64xf32, #tpu.memory_space<hbm>>
    tpu.wait_dma2 semaphore(%arg12 : memref<!tpu.dma_semaphore, #tpu.memory_space<semaphore_mem>>) src(%dma_wait3A_111 : memref<128x64xf32, #tpu.memory_space<hbm>>) dst(%dma_wait3A_104 : memref<128x64xf32, #tpu.memory_space<vmem>>)
    %barrier3A_112 = arith.constant 0 : index
    tpu.barrier barrier_id(%barrier3A_112)
    %mul3A_113 = arith.constant 632 : i32
    %mul3A_114 = arith.muli %arg1, %mul3A_113 : i32
    %mul3A_115 = arith.constant 632 : i32
    %mul3A_116 = arith.muli %arg1, %mul3A_115 : i32
    "tpu.region"() ({
      %run_scoped3A = tpu.sem_alloc : memref<!tpu.dma_semaphore, #tpu.memory_space<semaphore_mem>>
      %dma_start3A_117 = arith.constant 0 : i32
      %dma_start3A_118 = tpu.memref_slice %arg6[%arg0, %mul3A_116, %dma_start3A_117] : memref<2x10112x64xf32, #tpu.memory_space<hbm>> -> memref<1x632x64xf32, #tpu.memory_space<hbm>>
      %dma_start3A_119 = tpu.memref_squeeze %dma_start3A_118 : memref<1x632x64xf32, #tpu.memory_space<hbm>> -> memref<632x64xf32, #tpu.memory_space<hbm>>
      %dma_start3A_120 = arith.constant 0 : i32
      %dma_start3A_121 = tpu.memref_slice %arg13[%mul3A_114, %dma_start3A_120] : memref<10112x64xf32, #tpu.memory_space<vmem_shared>> -> memref<632x64xf32, #tpu.memory_space<vmem_shared>>
      tpu.enqueue_dma source(%dma_start3A_121 : memref<632x64xf32, #tpu.memory_space<vmem_shared>>) target(%dma_start3A_119 : memref<632x64xf32, #tpu.memory_space<hbm>>) target_semaphore(%run_scoped3A : memref<!tpu.dma_semaphore, #tpu.memory_space<semaphore_mem>>)
      %dma_wait3A_122 = arith.constant 0 : i32
      %dma_wait3A_123 = tpu.memref_slice %arg6[%arg0, %mul3A_116, %dma_wait3A_122] : memref<2x10112x64xf32, #tpu.memory_space<hbm>> -> memref<1x632x64xf32, #tpu.memory_space<hbm>>
      %dma_wait3A_124 = tpu.memref_squeeze %dma_wait3A_123 : memref<1x632x64xf32, #tpu.memory_space<hbm>> -> memref<632x64xf32, #tpu.memory_space<hbm>>
      %dma_wait3A_125 = arith.constant 0 : i32
      %dma_wait3A_126 = tpu.memref_slice %arg13[%mul3A_114, %dma_wait3A_125] : memref<10112x64xf32, #tpu.memory_space<vmem_shared>> -> memref<632x64xf32, #tpu.memory_space<vmem_shared>>
      tpu.wait_dma2 semaphore(%run_scoped3A : memref<!tpu.dma_semaphore, #tpu.memory_space<semaphore_mem>>) src(%dma_wait3A_126 : memref<632x64xf32, #tpu.memory_space<vmem_shared>>) dst(%dma_wait3A_124 : memref<632x64xf32, #tpu.memory_space<hbm>>)
      tpu.yield
    }) : () -> ()
    return
  }
}

module attributes {stable_mosaic.version = 14 : i64} {
  func.func @_front_body(%arg0: i32, %arg1: memref<2000x128xf32, #tpu.memory_space<vmem>>, %arg2: memref<5x128x128xf32, #tpu.memory_space<vmem>>, %arg3: memref<5x128xf32, #tpu.memory_space<vmem>>, %arg4: memref<2000x128xf32, #tpu.memory_space<vmem>>, %arg5: memref<128x128xf32, #tpu.memory_space<vmem>>, %arg6: memref<1x128xf32, #tpu.memory_space<vmem>>) attributes {dimension_semantics = [#tpu.dimension_semantics<arbitrary>], iteration_bounds = array<i64: 5>, scalar_prefetch = 0 : i64, scratch_operands = 2 : i64, tpu.core_type = #tpu.core_type<tc>, window_params = [{transform_indices = @transform_0, window_bounds = array<i64: 2000, 128>}, {pipeline_mode = #tpu.pipeline_mode<synchronous>, transform_indices = @transform_1, window_bounds = array<i64: 5, 128, 128>}, {pipeline_mode = #tpu.pipeline_mode<synchronous>, transform_indices = @transform_2, window_bounds = array<i64: 5, 128>}, {transform_indices = @transform_3, window_bounds = array<i64: 2000, 128>}]} {
    %eq3A = arith.constant 0 : i32
    %eq3A_0 = arith.cmpi eq, %arg0, %eq3A : i32
    %convert_element_type3A = arith.extui %eq3A_0 : i1 to i32
    %cond3A = arith.constant 0 : i32
    %cond3A_1 = arith.cmpi ne, %convert_element_type3A, %cond3A : i32
    scf.if %cond3A_1 {
      %get3A_14 = arith.constant 0 : index
      %get3A_15 = arith.constant 0 : index
      %get3A_16 = arith.constant 0 : index
      %get3A_17 = vector.load %arg2[%get3A_14, %get3A_15, %get3A_16] : memref<5x128x128xf32, #tpu.memory_space<vmem>>, vector<5x128x128xf32>
      %reduce_sum3A = arith.constant dense<0.000000e+00> : vector<128x128xf32>
      %reduce_sum3A_18 = vector.multi_reduction <add>, %get3A_17, %reduce_sum3A [0] : vector<5x128x128xf32> to vector<128x128xf32>
      %swap3A_19 = arith.constant 0 : index
      %swap3A_20 = arith.constant 0 : index
      %swap3A_21 = vector.load %arg5[%swap3A_19, %swap3A_20] : memref<128x128xf32, #tpu.memory_space<vmem>>, vector<128x128xf32>
      tpu.vector_store %arg5[%swap3A_19, %swap3A_20], %reduce_sum3A_18 {strides = array<i32>} : memref<128x128xf32, #tpu.memory_space<vmem>>, vector<128x128xf32>,
      %get3A_22 = arith.constant 0 : index
      %get3A_23 = arith.constant 0 : index
      %get3A_24 = vector.load %arg3[%get3A_22, %get3A_23] : memref<5x128xf32, #tpu.memory_space<vmem>>, vector<5x128xf32>
      %reduce_sum3A_25 = arith.constant dense<0.000000e+00> : vector<128xf32>
      %reduce_sum3A_26 = vector.multi_reduction <add>, %get3A_24, %reduce_sum3A_25 [0] : vector<5x128xf32> to vector<128xf32>
      %broadcast_in_dim3A = vector.shape_cast %reduce_sum3A_26 : vector<128xf32> to vector<1x128xf32>
      %swap3A_27 = arith.constant 0 : index
      %swap3A_28 = arith.constant 0 : index
      %swap3A_29 = vector.load %arg6[%swap3A_27, %swap3A_28] : memref<1x128xf32, #tpu.memory_space<vmem>>, vector<1x128xf32>
      tpu.vector_store %arg6[%swap3A_27, %swap3A_28], %broadcast_in_dim3A {strides = array<i32>} : memref<1x128xf32, #tpu.memory_space<vmem>>, vector<1x128xf32>,
    } else {
    }
    %get3A = arith.constant 0 : index
    %get3A_2 = arith.constant 0 : index
    %get3A_3 = vector.load %arg1[%get3A, %get3A_2] : memref<2000x128xf32, #tpu.memory_space<vmem>>, vector<2000x128xf32>
    %get3A_4 = arith.constant 0 : index
    %get3A_5 = arith.constant 0 : index
    %get3A_6 = vector.load %arg5[%get3A_4, %get3A_5] : memref<128x128xf32, #tpu.memory_space<vmem>>, vector<128x128xf32>
    %dot_general3A = arith.constant dense<0.000000e+00> : vector<2000x128xf32>
    %dot_general3A_7 = tpu.matmul %get3A_3, %get3A_6, %dot_general3A {dimension_numbers = #tpu.dot_dimension_numbers<[1], [0], [0], [1], [0, 0, 1, 1], [], []>, precision = #tpu.contract_precision<fp32>, transpose_lhs_hint = false} : vector<2000x128xf32>, vector<128x128xf32>, vector<2000x128xf32> -> vector<2000x128xf32>
    %get3A_8 = arith.constant 0 : index
    %get3A_9 = arith.constant 0 : index
    %get3A_10 = vector.load %arg6[%get3A_8, %get3A_9] : memref<1x128xf32, #tpu.memory_space<vmem>>, vector<1x128xf32>
    %add3A = vector.broadcast %get3A_10 : vector<1x128xf32> to vector<2000x128xf32>
    %add3A_11 = arith.addf %dot_general3A_7, %add3A : vector<2000x128xf32>
    %swap3A = arith.constant 0 : index
    %swap3A_12 = arith.constant 0 : index
    %swap3A_13 = vector.load %arg4[%swap3A, %swap3A_12] : memref<2000x128xf32, #tpu.memory_space<vmem>>, vector<2000x128xf32>
    tpu.vector_store %arg4[%swap3A, %swap3A_12], %add3A_11 {strides = array<i32>} : memref<2000x128xf32, #tpu.memory_space<vmem>>, vector<2000x128xf32>,
    return
  }
  func.func @transform_0(%arg0: i32) -> (i32, i32) {
    %c0_i32 = arith.constant 0 : i32
    %c0_i32_0 = arith.constant 0 : i32
    return %arg0, %c0_i32 : i32, i32
  }
  func.func @transform_1(%arg0: i32) -> (i32, i32, i32) {
    %c0_i32 = arith.constant 0 : i32
    %c0_i32_0 = arith.constant 0 : i32
    %c0_i32_1 = arith.constant 0 : i32
    %c0_i32_2 = arith.constant 0 : i32
    return %c0_i32, %c0_i32_0, %c0_i32_1 : i32, i32, i32
  }
  func.func @transform_2(%arg0: i32) -> (i32, i32) {
    %c0_i32 = arith.constant 0 : i32
    %c0_i32_0 = arith.constant 0 : i32
    %c0_i32_1 = arith.constant 0 : i32
    return %c0_i32, %c0_i32_0 : i32, i32
  }
  func.func @transform_3(%arg0: i32) -> (i32, i32) {
    %c0_i32 = arith.constant 0 : i32
    %c0_i32_0 = arith.constant 0 : i32
    return %arg0, %c0_i32 : i32, i32
  }
}

module attributes {stable_mosaic.version = 14 : i64} {
  func.func @_tail_body(%arg0: i32, %arg1: memref<2x2000x64xf32, #tpu.memory_space<vmem>>, %arg2: memref<2000x128xf32, #tpu.memory_space<vmem>>, %arg3: memref<1x2000x1xi32, #tpu.memory_space<vmem>>, %arg4: memref<5x128x128xf32, #tpu.memory_space<vmem>>, %arg5: memref<1x128xf32, #tpu.memory_space<vmem>>, %arg6: memref<1x128xf32, #tpu.memory_space<vmem>>, %arg7: memref<128x96xf32, #tpu.memory_space<vmem>>, %arg8: memref<1x96xf32, #tpu.memory_space<vmem>>, %arg9: memref<64x96xf32, #tpu.memory_space<vmem>>, %arg10: memref<128x128xf32, #tpu.memory_space<vmem>>, %arg11: memref<1x128xf32, #tpu.memory_space<vmem>>, %arg12: memref<1x128xf32, #tpu.memory_space<vmem>>, %arg13: memref<64x128xf32, #tpu.memory_space<vmem>>, %arg14: memref<64x128xf32, #tpu.memory_space<vmem>>) attributes {dimension_semantics = [#tpu.dimension_semantics<arbitrary>], iteration_bounds = array<i64: 5>, scalar_prefetch = 0 : i64, scratch_operands = 5 : i64, tpu.core_type = #tpu.core_type<tc>, window_params = [{transform_indices = @transform_0, window_bounds = array<i64: 2, 2000, 64>}, {transform_indices = @transform_1, window_bounds = array<i64: 2000, 128>}, {transform_indices = @transform_2, window_bounds = array<i64: 1, 2000, 1>}, {pipeline_mode = #tpu.pipeline_mode<synchronous>, transform_indices = @transform_3, window_bounds = array<i64: 5, 128, 128>}, {pipeline_mode = #tpu.pipeline_mode<synchronous>, transform_indices = @transform_4, window_bounds = array<i64: 1, 128>}, {pipeline_mode = #tpu.pipeline_mode<synchronous>, transform_indices = @transform_5, window_bounds = array<i64: 1, 128>}, {pipeline_mode = #tpu.pipeline_mode<synchronous>, transform_indices = @transform_6, window_bounds = array<i64: 128, 96>}, {pipeline_mode = #tpu.pipeline_mode<synchronous>, transform_indices = @transform_7, window_bounds = array<i64: 1, 96>}, {pipeline_mode = #tpu.pipeline_mode<synchronous>, transform_indices = @transform_8, window_bounds = array<i64: 64, 96>}]} {
    %eq3A = arith.constant 0 : i32
    %eq3A_0 = arith.cmpi eq, %arg0, %eq3A : i32
    %convert_element_type3A = arith.extui %eq3A_0 : i1 to i32
    %cond3A = arith.constant 0 : i32
    %cond3A_1 = arith.cmpi ne, %convert_element_type3A, %cond3A : i32
    scf.if %cond3A_1 {
      %get3A_67 = arith.constant 0 : index
      %get3A_68 = arith.constant 0 : index
      %get3A_69 = arith.constant 0 : index
      %get3A_70 = vector.load %arg4[%get3A_67, %get3A_68, %get3A_69] : memref<5x128x128xf32, #tpu.memory_space<vmem>>, vector<5x128x128xf32>
      %reduce_sum3A_71 = arith.constant dense<0.000000e+00> : vector<128x128xf32>
      %reduce_sum3A_72 = vector.multi_reduction <add>, %get3A_70, %reduce_sum3A_71 [0] : vector<5x128x128xf32> to vector<128x128xf32>
      %swap3A_73 = arith.constant 0 : index
      %swap3A_74 = arith.constant 0 : index
      %swap3A_75 = vector.load %arg10[%swap3A_73, %swap3A_74] : memref<128x128xf32, #tpu.memory_space<vmem>>, vector<128x128xf32>
      tpu.vector_store %arg10[%swap3A_73, %swap3A_74], %reduce_sum3A_72 {strides = array<i32>} : memref<128x128xf32, #tpu.memory_space<vmem>>, vector<128x128xf32>,
      %broadcast_in_dim3A_76 = arith.constant 0.000000e+00 : f32
      %broadcast_in_dim3A_77 = vector.broadcast %broadcast_in_dim3A_76 : f32 to vector<1x128xf32>
      %swap3A_78 = arith.constant 0 : index
      %swap3A_79 = arith.constant 0 : index
      %swap3A_80 = vector.load %arg11[%swap3A_78, %swap3A_79] : memref<1x128xf32, #tpu.memory_space<vmem>>, vector<1x128xf32>
      tpu.vector_store %arg11[%swap3A_78, %swap3A_79], %broadcast_in_dim3A_77 {strides = array<i32>} : memref<1x128xf32, #tpu.memory_space<vmem>>, vector<1x128xf32>,
      %broadcast_in_dim3A_81 = arith.constant 0.000000e+00 : f32
      %broadcast_in_dim3A_82 = vector.broadcast %broadcast_in_dim3A_81 : f32 to vector<1x128xf32>
      %swap3A_83 = arith.constant 0 : index
      %swap3A_84 = arith.constant 0 : index
      %swap3A_85 = vector.load %arg12[%swap3A_83, %swap3A_84] : memref<1x128xf32, #tpu.memory_space<vmem>>, vector<1x128xf32>
      tpu.vector_store %arg12[%swap3A_83, %swap3A_84], %broadcast_in_dim3A_82 {strides = array<i32>} : memref<1x128xf32, #tpu.memory_space<vmem>>, vector<1x128xf32>,
      %broadcast_in_dim3A_86 = arith.constant 0xFF800000 : f32
      %broadcast_in_dim3A_87 = vector.broadcast %broadcast_in_dim3A_86 : f32 to vector<64x128xf32>
      %swap3A_88 = arith.constant 0 : index
      %swap3A_89 = arith.constant 0 : index
      %swap3A_90 = vector.load %arg13[%swap3A_88, %swap3A_89] : memref<64x128xf32, #tpu.memory_space<vmem>>, vector<64x128xf32>
      tpu.vector_store %arg13[%swap3A_88, %swap3A_89], %broadcast_in_dim3A_87 {strides = array<i32>} : memref<64x128xf32, #tpu.memory_space<vmem>>, vector<64x128xf32>,
      %broadcast_in_dim3A_91 = arith.constant 0x7F800000 : f32
      %broadcast_in_dim3A_92 = vector.broadcast %broadcast_in_dim3A_91 : f32 to vector<64x128xf32>
      %swap3A_93 = arith.constant 0 : index
      %swap3A_94 = arith.constant 0 : index
      %swap3A_95 = vector.load %arg14[%swap3A_93, %swap3A_94] : memref<64x128xf32, #tpu.memory_space<vmem>>, vector<64x128xf32>
      tpu.vector_store %arg14[%swap3A_93, %swap3A_94], %broadcast_in_dim3A_92 {strides = array<i32>} : memref<64x128xf32, #tpu.memory_space<vmem>>, vector<64x128xf32>,
    } else {
    }
    %get3A = arith.constant 0 : index
    %get3A_2 = arith.constant 0 : index
    %get3A_3 = vector.load %arg10[%get3A, %get3A_2] : memref<128x128xf32, #tpu.memory_space<vmem>>, vector<128x128xf32>
    %get3A_4 = arith.constant 0 : index
    %get3A_5 = arith.constant 0 : index
    %get3A_6 = arith.constant 0 : index
    %get3A_7 = vector.load %arg1[%get3A_4, %get3A_5, %get3A_6] : memref<2x2000x64xf32, #tpu.memory_space<vmem>>, vector<1x2000x64xf32>
    %get3A_8 = vector.shape_cast %get3A_7 : vector<1x2000x64xf32> to vector<2000x64xf32>
    %slice3A = vector.extract_strided_slice %get3A_3 {offsets = [0, 0], sizes = [64, 128], strides = [1, 1]} : vector<128x128xf32> to vector<64x128xf32>
    %dot_general3A = arith.constant dense<0.000000e+00> : vector<2000x128xf32>
    %dot_general3A_9 = tpu.matmul %get3A_8, %slice3A, %dot_general3A {dimension_numbers = #tpu.dot_dimension_numbers<[1], [0], [0], [1], [0, 0, 1, 1], [], []>, precision = #tpu.contract_precision<fp32>, transpose_lhs_hint = false} : vector<2000x64xf32>, vector<64x128xf32>, vector<2000x128xf32> -> vector<2000x128xf32>
    %get3A_10 = arith.constant 1 : index
    %get3A_11 = arith.constant 0 : index
    %get3A_12 = arith.constant 0 : index
    %get3A_13 = vector.load %arg1[%get3A_10, %get3A_11, %get3A_12] : memref<2x2000x64xf32, #tpu.memory_space<vmem>>, vector<1x2000x64xf32>
    %get3A_14 = vector.shape_cast %get3A_13 : vector<1x2000x64xf32> to vector<2000x64xf32>
    %slice3A_15 = vector.extract_strided_slice %get3A_3 {offsets = [64, 0], sizes = [64, 128], strides = [1, 1]} : vector<128x128xf32> to vector<64x128xf32>
    %dot_general3A_16 = arith.constant dense<0.000000e+00> : vector<2000x128xf32>
    %dot_general3A_17 = tpu.matmul %get3A_14, %slice3A_15, %dot_general3A_16 {dimension_numbers = #tpu.dot_dimension_numbers<[1], [0], [0], [1], [0, 0, 1, 1], [], []>, precision = #tpu.contract_precision<fp32>, transpose_lhs_hint = false} : vector<2000x64xf32>, vector<64x128xf32>, vector<2000x128xf32> -> vector<2000x128xf32>
    %add3A = arith.addf %dot_general3A_9, %dot_general3A_17 : vector<2000x128xf32>
    %get3A_18 = arith.constant 0 : index
    %get3A_19 = arith.constant 0 : index
    %get3A_20 = vector.load %arg2[%get3A_18, %get3A_19] : memref<2000x128xf32, #tpu.memory_space<vmem>>, vector<2000x128xf32>
    %add3A_21 = arith.addf %add3A, %get3A_20 : vector<2000x128xf32>
    %get3A_22 = arith.constant 0 : index
    %get3A_23 = arith.constant 0 : index
    %get3A_24 = vector.load %arg11[%get3A_22, %get3A_23] : memref<1x128xf32, #tpu.memory_space<vmem>>, vector<1x128xf32>
    %reduce_sum3A = arith.constant dense<0.000000e+00> : vector<128xf32>
    %reduce_sum3A_25 = vector.multi_reduction <add>, %add3A_21, %reduce_sum3A [0] : vector<2000x128xf32> to vector<128xf32>
    %broadcast_in_dim3A = vector.shape_cast %reduce_sum3A_25 : vector<128xf32> to vector<1x128xf32>
    %add3A_26 = arith.addf %get3A_24, %broadcast_in_dim3A : vector<1x128xf32>
    %swap3A = arith.constant 0 : index
    %swap3A_27 = arith.constant 0 : index
    %swap3A_28 = vector.load %arg11[%swap3A, %swap3A_27] : memref<1x128xf32, #tpu.memory_space<vmem>>, vector<1x128xf32>
    tpu.vector_store %arg11[%swap3A, %swap3A_27], %add3A_26 {strides = array<i32>} : memref<1x128xf32, #tpu.memory_space<vmem>>, vector<1x128xf32>,
    %get3A_29 = arith.constant 0 : index
    %get3A_30 = arith.constant 0 : index
    %get3A_31 = vector.load %arg12[%get3A_29, %get3A_30] : memref<1x128xf32, #tpu.memory_space<vmem>>, vector<1x128xf32>
    %mul3A = arith.mulf %add3A_21, %add3A_21 : vector<2000x128xf32>
    %reduce_sum3A_32 = arith.constant dense<0.000000e+00> : vector<128xf32>
    %reduce_sum3A_33 = vector.multi_reduction <add>, %mul3A, %reduce_sum3A_32 [0] : vector<2000x128xf32> to vector<128xf32>
    %broadcast_in_dim3A_34 = vector.shape_cast %reduce_sum3A_33 : vector<128xf32> to vector<1x128xf32>
    %add3A_35 = arith.addf %get3A_31, %broadcast_in_dim3A_34 : vector<1x128xf32>
    %swap3A_36 = arith.constant 0 : index
    %swap3A_37 = arith.constant 0 : index
    %swap3A_38 = vector.load %arg12[%swap3A_36, %swap3A_37] : memref<1x128xf32, #tpu.memory_space<vmem>>, vector<1x128xf32>
    tpu.vector_store %arg12[%swap3A_36, %swap3A_37], %add3A_35 {strides = array<i32>} : memref<1x128xf32, #tpu.memory_space<vmem>>, vector<1x128xf32>,
    %get3A_39 = arith.constant 0 : index
    %get3A_40 = arith.constant 0 : index
    %get3A_41 = arith.constant 0 : index
    %get3A_42 = vector.load %arg3[%get3A_39, %get3A_40, %get3A_41] : memref<1x2000x1xi32, #tpu.memory_space<vmem>>, vector<1x2000x1xi32>
    %get3A_43 = vector.shape_cast %get3A_42 : vector<1x2000x1xi32> to vector<2000x1xi32>
    %reduce_min3A = vector.shape_cast %get3A_43 : vector<2000x1xi32> to vector<1x2000x1xi32>
    %reduce_min3A_44 = arith.constant dense<2147483647> : vector<1xi32>
    %reduce_min3A_45 = vector.multi_reduction <minsi>, %reduce_min3A, %reduce_min3A_44 [1, 2] : vector<1x2000x1xi32> to vector<1xi32>
    %reduce_min3A_46 = vector.shape_cast %reduce_min3A_45 : vector<1xi32> to vector<1x1x1xi32>
    %reduce_min3A_47 = vector.extract %reduce_min3A_46[0, 0, 0] : i32 from vector<1x1x1xi32>
    %reduce_max3A = vector.shape_cast %get3A_43 : vector<2000x1xi32> to vector<1x2000x1xi32>
    %reduce_max3A_48 = arith.constant dense<-2147483648> : vector<1xi32>
    %reduce_max3A_49 = vector.multi_reduction <maxsi>, %reduce_max3A, %reduce_max3A_48 [1, 2] : vector<1x2000x1xi32> to vector<1xi32>
    %reduce_max3A_50 = vector.shape_cast %reduce_max3A_49 : vector<1xi32> to vector<1x1x1xi32>
    %reduce_max3A_51 = vector.extract %reduce_max3A_50[0, 0, 0] : i32 from vector<1x1x1xi32>
    %add3A_52 = arith.constant 1 : i32
    %add3A_53 = arith.addi %reduce_max3A_51, %add3A_52 : i32
    %while3A = arith.constant 0 : i32
    %while3A_54 = arith.subi %add3A_53, %reduce_min3A_47 : i32
    %while3A_55 = arith.addi %reduce_min3A_47, %while3A_54 : i32
    %while3A_56 = arith.constant 1 : i32
    %while3A_57 = arith.divsi %while3A_54, %while3A_56 : i32
    %while3A_58 = arith.muli %while3A_57, %while3A_56 : i32
    %while3A_59 = arith.addi %reduce_min3A_47, %while3A_58 : i32
    %while3A_60 = arith.constant 1 : i32
    scf.for %while3A_67 = %reduce_min3A_47 to %while3A_59 step %while3A_60  : i32 {
      %eq3A_68 = vector.broadcast %while3A_67 : i32 to vector<2000x1xi32>
      %eq3A_69 = arith.cmpi eq, %get3A_43, %eq3A_68 : vector<2000x1xi32>
      %jit3A = arith.constant 0xFF800000 : f32
      %broadcast_in_dim3A_70 = vector.shape_cast %eq3A_69 : vector<2000x1xi1> to vector<2000x1xi1>
      %broadcast_in_dim3A_71 = vector.broadcast %broadcast_in_dim3A_70 : vector<2000x1xi1> to vector<2000x128xi1>
      %broadcast_in_dim3A_72 = vector.broadcast %jit3A : f32 to vector<2000x128xf32>
      %select_n3A = arith.select %broadcast_in_dim3A_71, %add3A_21, %broadcast_in_dim3A_72 : vector<2000x128xi1>, vector<2000x128xf32>
      %reduce_max3A_73 = arith.constant dense<0xFF800000> : vector<128xf32>
      %reduce_max3A_74 = vector.multi_reduction <maximumf>, %select_n3A, %reduce_max3A_73 [0] : vector<2000x128xf32> to vector<128xf32>
      %broadcast_in_dim3A_75 = vector.shape_cast %reduce_max3A_74 : vector<128xf32> to vector<1x128xf32>
      %jit3A_76 = arith.constant 0x7F800000 : f32
      %broadcast_in_dim3A_77 = vector.shape_cast %eq3A_69 : vector<2000x1xi1> to vector<2000x1xi1>
      %broadcast_in_dim3A_78 = vector.broadcast %broadcast_in_dim3A_77 : vector<2000x1xi1> to vector<2000x128xi1>
      %broadcast_in_dim3A_79 = vector.broadcast %jit3A_76 : f32 to vector<2000x128xf32>
      %select_n3A_80 = arith.select %broadcast_in_dim3A_78, %add3A_21, %broadcast_in_dim3A_79 : vector<2000x128xi1>, vector<2000x128xf32>
      %reduce_min3A_81 = arith.constant dense<0x7F800000> : vector<128xf32>
      %reduce_min3A_82 = vector.multi_reduction <minimumf>, %select_n3A_80, %reduce_min3A_81 [0] : vector<2000x128xf32> to vector<128xf32>
      %broadcast_in_dim3A_83 = vector.shape_cast %reduce_min3A_82 : vector<128xf32> to vector<1x128xf32>
      %iota3A = tpu.iota {dimensions = array<i32: 0>} : vector<64x1xi32>
      %eq3A_84 = vector.broadcast %while3A_67 : i32 to vector<64x1xi32>
      %eq3A_85 = arith.cmpi eq, %iota3A, %eq3A_84 : vector<64x1xi32>
      %get3A_86 = arith.constant 0 : index
      %get3A_87 = arith.constant 0 : index
      %get3A_88 = vector.load %arg13[%get3A_86, %get3A_87] : memref<64x128xf32, #tpu.memory_space<vmem>>, vector<64x128xf32>
      %max3A = vector.broadcast %broadcast_in_dim3A_75 : vector<1x128xf32> to vector<64x128xf32>
      %max3A_89 = arith.maximumf %get3A_88, %max3A : vector<64x128xf32>
      %get3A_90 = arith.constant 0 : index
      %get3A_91 = arith.constant 0 : index
      %get3A_92 = vector.load %arg13[%get3A_90, %get3A_91] : memref<64x128xf32, #tpu.memory_space<vmem>>, vector<64x128xf32>
      %broadcast_in_dim3A_93 = vector.shape_cast %eq3A_85 : vector<64x1xi1> to vector<64x1xi1>
      %broadcast_in_dim3A_94 = vector.broadcast %broadcast_in_dim3A_93 : vector<64x1xi1> to vector<64x128xi1>
      %select_n3A_95 = arith.select %broadcast_in_dim3A_94, %max3A_89, %get3A_92 : vector<64x128xi1>, vector<64x128xf32>
      %swap3A_96 = arith.constant 0 : index
      %swap3A_97 = arith.constant 0 : index
      %swap3A_98 = vector.load %arg13[%swap3A_96, %swap3A_97] : memref<64x128xf32, #tpu.memory_space<vmem>>, vector<64x128xf32>
      tpu.vector_store %arg13[%swap3A_96, %swap3A_97], %select_n3A_95 {strides = array<i32>} : memref<64x128xf32, #tpu.memory_space<vmem>>, vector<64x128xf32>,
      %get3A_99 = arith.constant 0 : index
      %get3A_100 = arith.constant 0 : index
      %get3A_101 = vector.load %arg14[%get3A_99, %get3A_100] : memref<64x128xf32, #tpu.memory_space<vmem>>, vector<64x128xf32>
      %min3A = vector.broadcast %broadcast_in_dim3A_83 : vector<1x128xf32> to vector<64x128xf32>
      %min3A_102 = arith.minimumf %get3A_101, %min3A : vector<64x128xf32>
      %get3A_103 = arith.constant 0 : index
      %get3A_104 = arith.constant 0 : index
      %get3A_105 = vector.load %arg14[%get3A_103, %get3A_104] : memref<64x128xf32, #tpu.memory_space<vmem>>, vector<64x128xf32>
      %broadcast_in_dim3A_106 = vector.shape_cast %eq3A_85 : vector<64x1xi1> to vector<64x1xi1>
      %broadcast_in_dim3A_107 = vector.broadcast %broadcast_in_dim3A_106 : vector<64x1xi1> to vector<64x128xi1>
      %select_n3A_108 = arith.select %broadcast_in_dim3A_107, %min3A_102, %get3A_105 : vector<64x128xi1>, vector<64x128xf32>
      %swap3A_109 = arith.constant 0 : index
      %swap3A_110 = arith.constant 0 : index
      %swap3A_111 = vector.load %arg14[%swap3A_109, %swap3A_110] : memref<64x128xf32, #tpu.memory_space<vmem>>, vector<64x128xf32>
      tpu.vector_store %arg14[%swap3A_109, %swap3A_110], %select_n3A_108 {strides = array<i32>} : memref<64x128xf32, #tpu.memory_space<vmem>>, vector<64x128xf32>,
    }
    %while3A_61 = arith.constant 1 : i32
    scf.for %while3A_67 = %while3A_59 to %while3A_55 step %while3A_61  : i32 {
      %eq3A_68 = vector.broadcast %while3A_67 : i32 to vector<2000x1xi32>
      %eq3A_69 = arith.cmpi eq, %get3A_43, %eq3A_68 : vector<2000x1xi32>
      %jit3A = arith.constant 0xFF800000 : f32
      %broadcast_in_dim3A_70 = vector.shape_cast %eq3A_69 : vector<2000x1xi1> to vector<2000x1xi1>
      %broadcast_in_dim3A_71 = vector.broadcast %broadcast_in_dim3A_70 : vector<2000x1xi1> to vector<2000x128xi1>
      %broadcast_in_dim3A_72 = vector.broadcast %jit3A : f32 to vector<2000x128xf32>
      %select_n3A = arith.select %broadcast_in_dim3A_71, %add3A_21, %broadcast_in_dim3A_72 : vector<2000x128xi1>, vector<2000x128xf32>
      %reduce_max3A_73 = arith.constant dense<0xFF800000> : vector<128xf32>
      %reduce_max3A_74 = vector.multi_reduction <maximumf>, %select_n3A, %reduce_max3A_73 [0] : vector<2000x128xf32> to vector<128xf32>
      %broadcast_in_dim3A_75 = vector.shape_cast %reduce_max3A_74 : vector<128xf32> to vector<1x128xf32>
      %jit3A_76 = arith.constant 0x7F800000 : f32
      %broadcast_in_dim3A_77 = vector.shape_cast %eq3A_69 : vector<2000x1xi1> to vector<2000x1xi1>
      %broadcast_in_dim3A_78 = vector.broadcast %broadcast_in_dim3A_77 : vector<2000x1xi1> to vector<2000x128xi1>
      %broadcast_in_dim3A_79 = vector.broadcast %jit3A_76 : f32 to vector<2000x128xf32>
      %select_n3A_80 = arith.select %broadcast_in_dim3A_78, %add3A_21, %broadcast_in_dim3A_79 : vector<2000x128xi1>, vector<2000x128xf32>
      %reduce_min3A_81 = arith.constant dense<0x7F800000> : vector<128xf32>
      %reduce_min3A_82 = vector.multi_reduction <minimumf>, %select_n3A_80, %reduce_min3A_81 [0] : vector<2000x128xf32> to vector<128xf32>
      %broadcast_in_dim3A_83 = vector.shape_cast %reduce_min3A_82 : vector<128xf32> to vector<1x128xf32>
      %iota3A = tpu.iota {dimensions = array<i32: 0>} : vector<64x1xi32>
      %eq3A_84 = vector.broadcast %while3A_67 : i32 to vector<64x1xi32>
      %eq3A_85 = arith.cmpi eq, %iota3A, %eq3A_84 : vector<64x1xi32>
      %get3A_86 = arith.constant 0 : index
      %get3A_87 = arith.constant 0 : index
      %get3A_88 = vector.load %arg13[%get3A_86, %get3A_87] : memref<64x128xf32, #tpu.memory_space<vmem>>, vector<64x128xf32>
      %max3A = vector.broadcast %broadcast_in_dim3A_75 : vector<1x128xf32> to vector<64x128xf32>
      %max3A_89 = arith.maximumf %get3A_88, %max3A : vector<64x128xf32>
      %get3A_90 = arith.constant 0 : index
      %get3A_91 = arith.constant 0 : index
      %get3A_92 = vector.load %arg13[%get3A_90, %get3A_91] : memref<64x128xf32, #tpu.memory_space<vmem>>, vector<64x128xf32>
      %broadcast_in_dim3A_93 = vector.shape_cast %eq3A_85 : vector<64x1xi1> to vector<64x1xi1>
      %broadcast_in_dim3A_94 = vector.broadcast %broadcast_in_dim3A_93 : vector<64x1xi1> to vector<64x128xi1>
      %select_n3A_95 = arith.select %broadcast_in_dim3A_94, %max3A_89, %get3A_92 : vector<64x128xi1>, vector<64x128xf32>
      %swap3A_96 = arith.constant 0 : index
      %swap3A_97 = arith.constant 0 : index
      %swap3A_98 = vector.load %arg13[%swap3A_96, %swap3A_97] : memref<64x128xf32, #tpu.memory_space<vmem>>, vector<64x128xf32>
      tpu.vector_store %arg13[%swap3A_96, %swap3A_97], %select_n3A_95 {strides = array<i32>} : memref<64x128xf32, #tpu.memory_space<vmem>>, vector<64x128xf32>,
      %get3A_99 = arith.constant 0 : index
      %get3A_100 = arith.constant 0 : index
      %get3A_101 = vector.load %arg14[%get3A_99, %get3A_100] : memref<64x128xf32, #tpu.memory_space<vmem>>, vector<64x128xf32>
      %min3A = vector.broadcast %broadcast_in_dim3A_83 : vector<1x128xf32> to vector<64x128xf32>
      %min3A_102 = arith.minimumf %get3A_101, %min3A : vector<64x128xf32>
      %get3A_103 = arith.constant 0 : index
      %get3A_104 = arith.constant 0 : index
      %get3A_105 = vector.load %arg14[%get3A_103, %get3A_104] : memref<64x128xf32, #tpu.memory_space<vmem>>, vector<64x128xf32>
      %broadcast_in_dim3A_106 = vector.shape_cast %eq3A_85 : vector<64x1xi1> to vector<64x1xi1>
      %broadcast_in_dim3A_107 = vector.broadcast %broadcast_in_dim3A_106 : vector<64x1xi1> to vector<64x128xi1>
      %select_n3A_108 = arith.select %broadcast_in_dim3A_107, %min3A_102, %get3A_105 : vector<64x128xi1>, vector<64x128xf32>
      %swap3A_109 = arith.constant 0 : index
      %swap3A_110 = arith.constant 0 : index
      %swap3A_111 = vector.load %arg14[%swap3A_109, %swap3A_110] : memref<64x128xf32, #tpu.memory_space<vmem>>, vector<64x128xf32>
      tpu.vector_store %arg14[%swap3A_109, %swap3A_110], %select_n3A_108 {strides = array<i32>} : memref<64x128xf32, #tpu.memory_space<vmem>>, vector<64x128xf32>,
    }
    %eq3A_62 = arith.constant 4 : i32
    %eq3A_63 = arith.cmpi eq, %arg0, %eq3A_62 : i32
    %convert_element_type3A_64 = arith.extui %eq3A_63 : i1 to i32
    %cond3A_65 = arith.constant 0 : i32
    %cond3A_66 = arith.cmpi ne, %convert_element_type3A_64, %cond3A_65 : i32
    scf.if %cond3A_66 {
      %get3A_67 = arith.constant 0 : index
      %get3A_68 = arith.constant 0 : index
      %get3A_69 = vector.load %arg11[%get3A_67, %get3A_68] : memref<1x128xf32, #tpu.memory_space<vmem>>, vector<1x128xf32>
      %div3A = arith.constant 1.000000e+04 : f32
      %div3A_70 = vector.broadcast %div3A : f32 to vector<1x128xf32>
      %div3A_71 = arith.divf %get3A_69, %div3A_70 : vector<1x128xf32>
      %get3A_72 = arith.constant 0 : index
      %get3A_73 = arith.constant 0 : index
      %get3A_74 = vector.load %arg12[%get3A_72, %get3A_73] : memref<1x128xf32, #tpu.memory_space<vmem>>, vector<1x128xf32>
      %div3A_75 = arith.constant 1.000000e+04 : f32
      %div3A_76 = vector.broadcast %div3A_75 : f32 to vector<1x128xf32>
      %div3A_77 = arith.divf %get3A_74, %div3A_76 : vector<1x128xf32>
      %mul3A_78 = arith.mulf %div3A_71, %div3A_71 : vector<1x128xf32>
      %sub3A = arith.subf %div3A_77, %mul3A_78 : vector<1x128xf32>
      %max3A = arith.constant 0.000000e+00 : f32
      %max3A_79 = vector.broadcast %max3A : f32 to vector<1x128xf32>
      %max3A_80 = arith.maximumf %sub3A, %max3A_79 : vector<1x128xf32>
      %get3A_81 = arith.constant 0 : index
      %get3A_82 = arith.constant 0 : index
      %get3A_83 = vector.load %arg5[%get3A_81, %get3A_82] : memref<1x128xf32, #tpu.memory_space<vmem>>, vector<1x128xf32>
      %add3A_84 = arith.constant 9.99999974E-6 : f32
      %add3A_85 = vector.broadcast %add3A_84 : f32 to vector<1x128xf32>
      %add3A_86 = arith.addf %max3A_80, %add3A_85 : vector<1x128xf32>
      %rsqrt3A = math.rsqrt %add3A_86 : vector<1x128xf32>
      %mul3A_87 = arith.mulf %get3A_83, %rsqrt3A : vector<1x128xf32>
      %get3A_88 = arith.constant 0 : index
      %get3A_89 = arith.constant 0 : index
      %get3A_90 = vector.load %arg6[%get3A_88, %get3A_89] : memref<1x128xf32, #tpu.memory_space<vmem>>, vector<1x128xf32>
      %mul3A_91 = arith.mulf %div3A_71, %mul3A_87 : vector<1x128xf32>
      %sub3A_92 = arith.subf %get3A_90, %mul3A_91 : vector<1x128xf32>
      %get3A_93 = arith.constant 0 : index
      %get3A_94 = arith.constant 0 : index
      %get3A_95 = vector.load %arg13[%get3A_93, %get3A_94] : memref<64x128xf32, #tpu.memory_space<vmem>>, vector<64x128xf32>
      %get3A_96 = arith.constant 0 : index
      %get3A_97 = arith.constant 0 : index
      %get3A_98 = vector.load %arg14[%get3A_96, %get3A_97] : memref<64x128xf32, #tpu.memory_space<vmem>>, vector<64x128xf32>
      %ge3A = arith.constant 0.000000e+00 : f32
      %ge3A_99 = vector.broadcast %ge3A : f32 to vector<1x128xf32>
      %ge3A_100 = arith.cmpf oge, %mul3A_87, %ge3A_99 : vector<1x128xf32>
      %mul3A_101 = vector.broadcast %mul3A_87 : vector<1x128xf32> to vector<64x128xf32>
      %mul3A_102 = arith.mulf %get3A_95, %mul3A_101 : vector<64x128xf32>
      %add3A_103 = vector.broadcast %sub3A_92 : vector<1x128xf32> to vector<64x128xf32>
      %add3A_104 = arith.addf %mul3A_102, %add3A_103 : vector<64x128xf32>
      %mul3A_105 = vector.broadcast %mul3A_87 : vector<1x128xf32> to vector<64x128xf32>
      %mul3A_106 = arith.mulf %get3A_98, %mul3A_105 : vector<64x128xf32>
      %add3A_107 = vector.broadcast %sub3A_92 : vector<1x128xf32> to vector<64x128xf32>
      %add3A_108 = arith.addf %mul3A_106, %add3A_107 : vector<64x128xf32>
      %broadcast_in_dim3A_109 = vector.shape_cast %ge3A_100 : vector<1x128xi1> to vector<1x128xi1>
      %broadcast_in_dim3A_110 = vector.broadcast %broadcast_in_dim3A_109 : vector<1x128xi1> to vector<64x128xi1>
      %select_n3A = arith.select %broadcast_in_dim3A_110, %add3A_104, %add3A_108 : vector<64x128xi1>, vector<64x128xf32>
      %eq3A_111 = arith.constant 0xFF800000 : f32
      %eq3A_112 = vector.broadcast %eq3A_111 : f32 to vector<64x128xf32>
      %eq3A_113 = arith.cmpf oeq, %get3A_95, %eq3A_112 : vector<64x128xf32>
      %jit3A = arith.constant 0xFF800000 : f32
      %broadcast_in_dim3A_114 = vector.broadcast %jit3A : f32 to vector<64x128xf32>
      %select_n3A_115 = arith.select %eq3A_113, %broadcast_in_dim3A_114, %select_n3A : vector<64x128xi1>, vector<64x128xf32>
      %max3A_116 = arith.constant 0.000000e+00 : f32
      %max3A_117 = vector.broadcast %max3A_116 : f32 to vector<64x128xf32>
      %max3A_118 = arith.maximumf %select_n3A_115, %max3A_117 : vector<64x128xf32>
      %get3A_119 = arith.constant 0 : index
      %get3A_120 = arith.constant 0 : index
      %get3A_121 = vector.load %arg7[%get3A_119, %get3A_120] : memref<128x96xf32, #tpu.memory_space<vmem>>, vector<128x96xf32>
      %dot_general3A_122 = arith.constant dense<0.000000e+00> : vector<64x96xf32>
      %dot_general3A_123 = tpu.matmul %max3A_118, %get3A_121, %dot_general3A_122 {dimension_numbers = #tpu.dot_dimension_numbers<[1], [0], [0], [1], [0, 0, 1, 1], [], []>, precision = #tpu.contract_precision<fp32>, transpose_lhs_hint = false} : vector<64x128xf32>, vector<128x96xf32>, vector<64x96xf32> -> vector<64x96xf32>
      %get3A_124 = arith.constant 0 : index
      %get3A_125 = arith.constant 0 : index
      %get3A_126 = vector.load %arg8[%get3A_124, %get3A_125] : memref<1x96xf32, #tpu.memory_space<vmem>>, vector<1x96xf32>
      %add3A_127 = vector.broadcast %get3A_126 : vector<1x96xf32> to vector<64x96xf32>
      %add3A_128 = arith.addf %dot_general3A_123, %add3A_127 : vector<64x96xf32>
      %swap3A_129 = arith.constant 0 : index
      %swap3A_130 = arith.constant 0 : index
      %swap3A_131 = vector.load %arg9[%swap3A_129, %swap3A_130] : memref<64x96xf32, #tpu.memory_space<vmem>>, vector<64x96xf32>
      tpu.vector_store %arg9[%swap3A_129, %swap3A_130], %add3A_128 {strides = array<i32>} : memref<64x96xf32, #tpu.memory_space<vmem>>, vector<64x96xf32>,
    } else {
    }
    return
  }
  func.func @transform_0(%arg0: i32) -> (i32, i32, i32) {
    %c0_i32 = arith.constant 0 : i32
    %c0_i32_0 = arith.constant 0 : i32
    %c0_i32_1 = arith.constant 0 : i32
    return %c0_i32, %arg0, %c0_i32_0 : i32, i32, i32
  }
  func.func @transform_1(%arg0: i32) -> (i32, i32) {
    %c0_i32 = arith.constant 0 : i32
    %c0_i32_0 = arith.constant 0 : i32
    return %arg0, %c0_i32 : i32, i32
  }
  func.func @transform_2(%arg0: i32) -> (i32, i32, i32) {
    %c0_i32 = arith.constant 0 : i32
    %c0_i32_0 = arith.constant 0 : i32
    %c0_i32_1 = arith.constant 0 : i32
    return %arg0, %c0_i32, %c0_i32_0 : i32, i32, i32
  }
  func.func @transform_3(%arg0: i32) -> (i32, i32, i32) {
    %c0_i32 = arith.constant 0 : i32
    %c0_i32_0 = arith.constant 0 : i32
    %c0_i32_1 = arith.constant 0 : i32
    %c0_i32_2 = arith.constant 0 : i32
    return %c0_i32, %c0_i32_0, %c0_i32_1 : i32, i32, i32
  }
  func.func @transform_4(%arg0: i32) -> (i32, i32) {
    %c0_i32 = arith.constant 0 : i32
    %c0_i32_0 = arith.constant 0 : i32
    %c0_i32_1 = arith.constant 0 : i32
    return %c0_i32, %c0_i32_0 : i32, i32
  }
  func.func @transform_5(%arg0: i32) -> (i32, i32) {
    %c0_i32 = arith.constant 0 : i32
    %c0_i32_0 = arith.constant 0 : i32
    %c0_i32_1 = arith.constant 0 : i32
    return %c0_i32, %c0_i32_0 : i32, i32
  }
  func.func @transform_6(%arg0: i32) -> (i32, i32) {
    %c0_i32 = arith.constant 0 : i32
    %c0_i32_0 = arith.constant 0 : i32
    %c0_i32_1 = arith.constant 0 : i32
    return %c0_i32, %c0_i32_0 : i32, i32
  }
  func.func @transform_7(%arg0: i32) -> (i32, i32) {
    %c0_i32 = arith.constant 0 : i32
    %c0_i32_0 = arith.constant 0 : i32
    %c0_i32_1 = arith.constant 0 : i32
    return %c0_i32, %c0_i32_0 : i32, i32
  }
  func.func @transform_8(%arg0: i32) -> (i32, i32) {
    %c0_i32 = arith.constant 0 : i32
    %c0_i32_0 = arith.constant 0 : i32
    %c0_i32_1 = arith.constant 0 : i32
    return %c0_i32, %c0_i32_0 : i32, i32
  }
}

</mosaic_0001>

<sc_bundles>
// kernel: kernel.5.cloned.1.call-start
scs
__scs_entry_jumppad:
0x0: {  	(pc) =	sbr.rel $0x88, $3  }
0x1: {  	(tag) =	ssettag $0x0;
	lr =	simm.s32 $0x1  }
0x2: {  	[smem:$0x3F97] =	sst lr;
	_ =	strace $0xD0000000  }
0x3: {  	_ = 	snop  }
0x4: {  	_ = 	snop  }
0x5: {  	_ = 	snop  }
0x6: {  	_ = 	snop  }
0x7: {  	_ = 	snop  }
__scs_overlays_trampoline_lowered:
0x8: {  	[smem:$0x3FA6] =	sst s0  }
0x9: {  	[smem:$0x3FA7] =	sst s1  }
0xa: {  	[smem:$0x3FA8] =	sst s2  }
0xb: {  	[smem:$0x3FA9] =	sst s3  }
0xc: {  	[smem:$0x3FAA] =	sst s4  }
0xd: {  	[smem:$0x3FAB] =	sst s5  }
0xe: {  	[smem:$0x3FAC] =	sst s6  }
0xf: {  	[smem:$0x3FAD] =	sst s7  }
0x10: {  	[smem:$0x3FAE] =	sst s8  }
0x11: {  	[smem:$0x3FAF] =	sst s9;
	s0 =	simm.s32 @!p0 $0x0  }
0x12: {  	s1 =	sld [smem:$0x3F95];
	s0 =	simm.s32 @p0 $0x1  }
0x13: {  	[smem:$0x3FB0] =	sst s0;
	s0 =	simm.s32 @!p1 $0x0  }
0x14: {  	s2 =	sld [smem:$0x3F94];
	s0 =	simm.s32 @p1 $0x1  }
0x15: {  	[smem:$0x3FB1] =	sst s0;
	s0 =	simm.s32 @!p2 $0x0  }
0x16: {  	s3 =	sld [smem:$0x3FDB];
	s0 =	simm.s32 @p2 $0x1  }
0x17: {  	s4 =	simm.s32 $0x1BF5;
	[smem:$0x3FB3] =	sst s0  }
0x18: {  	s0 =	sld [smem:$0x3F96];
	_ =	swait.ge [sflag:s4], $0x0  }
0x19: {  	s7 =	sld [smem:$0x3F97]  }
0x1a: {  	s8 =	sadd.s32 $0xFFFFE003, lr  }
0x1b: {  	s9 =	sadd.s32 $0xFFFFFEF7, lr;
	s5 =	simm.s32 $0xFFFFFFFF;
	p2 =	slt.u32 s8, $0xFFFFF086  }
0x1c: {  	p1 =	slt.u32 s9, $0xF7A;
	s5 =	simm.s32 @!p2 $0x0  }
0x1d: {  	s5 =	simm.s32 @p1 $0x1;
	p0 =	seq.s32 s7, s2  }
0x1e: {  	s7 =	smul.u32 @!p0 $0xF7A, s2;
	p2 =	seq.s32 @!p0 s5, $0x0  }
0x1f: {  	s9 =	smul.u32 $0xF7A, s1;
	s8 =	simm.s32 @!p0 $0x1BF5;
	p2 =	por !p2, p0  }
0x20: {  	[sflag:s8] =	ssyncset.s32 @!p0 $0xFFFFF086;
	s6 =	sadd.s32 @!p0 s3, s7;
	s7 =	simm.s32 @!p0 $0x108  }
0x21: {  	s3 =	sadd.s32 s3, s9;
	s6 =	sadd.s32 @!p0 $0x88, s6;
	s7 =	simm.s32 @p2 $0x1082  }
0x22: {  	[simem:s7], [sflag:s8] =	dma.local @!p0 [hbm:s6], $0xF7A  }
0x23: {  	s9 =	sor.u32 $0xD0000000, s2;
	s6 =	simm.s32 $0x108;
	_ =	swait.ge @!p0 [sflag:s8], $0x0  }
0x24: {  	s3 =	sadd.s32 $0x88, s3;
	s6 =	simm.s32 @!p1 $0x1082;
	[sflag:s4] =	ssyncset.s32 $0xFFFFF086  }
0x25: {  	[simem:s6], [sflag:s4] =	dma.local [hbm:s3], $0xF7A  }
0x26: {  	[smem:$0x3F97] =	sst s1;
	(tag) =	ssettag s2;
	_ =	strace s9  }
0x27: {  	s1 =	sld [smem:$0x3FA7]  }
0x28: {  	s2 =	sld [smem:$0x3FA8]  }
0x29: {  	s4 =	sld [smem:$0x3FAA]  }
0x2a: {  	p0 =	seq.s32 s5, $0x0;
	s5 =	sld [smem:$0x3FAB]  }
0x2b: {  	s6 =	sld [smem:$0x3FAC]  }
0x2c: {  	s7 =	sld [smem:$0x3FAD]  }
0x2d: {  	s3 =	simm.s32 $0x108;
	s8 =	sld [smem:$0x3FAE]  }
0x2e: {  	s3 =	simm.s32 @!p0 $0x1082;
	s9 =	sld [smem:$0x3FAF]  }
0x2f: {  	lr =	sadd.s32 s0, s3;
	s0 =	sld [smem:$0x3FA6]  }
0x30: {  	s3 =	sld [smem:$0x3FA9]  }
0x31: {  	[smem:$0x3FB2] =	sst s10  }
0x32: {  	s10 =	sld [smem:$0x3FB0];
	_ =	sdelay $0x3  }
0x33: {  	p0 =	seq.s32 s10, $0x1;
	s10 =	sld [smem:$0x3FB2];
	_ =	sdelay $0x3  }
0x34: {  	[smem:$0x3FB2] =	sst s10  }
0x35: {  	s10 =	sld [smem:$0x3FB1];
	_ =	sdelay $0x3  }
0x36: {  	p1 =	seq.s32 s10, $0x1;
	s10 =	sld [smem:$0x3FB2];
	_ =	sdelay $0x3  }
0x37: {  	[smem:$0x3FB2] =	sst s10  }
0x38: {  	s10 =	sld [smem:$0x3FB3]  }
0x39: {  	_ = 	snop;
	(pc) =	sbr.ind lr, $3  }
0x3a: {  	_ = 	snop  }
0x3b: {  	_ = 	snop  }
0x3c: {  	p2 =	seq.s32 s10, $0x1;
	s10 =	sld [smem:$0x3FB2]  }
0x3d: {  	_ =	shalt  }
0x3e: {  	_ =	shalt  }
0x3f: {  	_ =	shalt  }
0x40: {  	_ =	shalt  }
0x41: {  	_ =	shalt  }
0x42: {  	_ =	shalt  }
0x43: {  	_ =	shalt  }
0x44: {  	_ =	shalt  }
0x45: {  	_ =	shalt  }
0x46: {  	_ =	shalt  }
0x47: {  	_ =	shalt  }
0x48: {  	_ =	shalt  }
0x49: {  	_ =	shalt  }
0x4a: {  	_ =	shalt  }
0x4b: {  	_ =	shalt  }
0x4c: {  	_ =	shalt  }
0x4d: {  	_ =	shalt  }
0x4e: {  	_ =	shalt  }
0x4f: {  	_ =	shalt  }
0x50: {  	_ =	shalt  }
0x51: {  	_ =	shalt  }
0x52: {  	_ =	shalt  }
0x53: {  	_ =	shalt  }
0x54: {  	_ =	shalt  }
0x55: {  	_ =	shalt  }
0x56: {  	_ =	shalt  }
0x57: {  	_ =	shalt  }
0x58: {  	_ =	shalt  }
0x59: {  	_ =	shalt  }
0x5a: {  	_ =	shalt  }
0x5b: {  	_ =	shalt  }
0x5c: {  	_ =	shalt  }
0x5d: {  	_ =	shalt  }
0x5e: {  	_ =	shalt  }
0x5f: {  	_ =	shalt  }
0x60: {  	_ =	shalt  }
0x61: {  	_ =	shalt  }
0x62: {  	_ =	shalt  }
0x63: {  	_ =	shalt  }
0x64: {  	_ =	shalt  }
0x65: {  	_ =	shalt  }
0x66: {  	_ =	shalt  }
0x67: {  	_ =	shalt  }
0x68: {  	_ =	shalt  }
0x69: {  	_ =	shalt  }
0x6a: {  	_ =	shalt  }
0x6b: {  	_ =	shalt  }
0x6c: {  	_ =	shalt  }
0x6d: {  	_ =	shalt  }
0x6e: {  	_ =	shalt  }
0x6f: {  	_ =	shalt  }
0x70: {  	_ =	shalt  }
0x71: {  	_ =	shalt  }
0x72: {  	_ =	shalt  }
0x73: {  	_ =	shalt  }
0x74: {  	_ =	shalt  }
0x75: {  	_ =	shalt  }
0x76: {  	_ =	shalt  }
0x77: {  	_ =	shalt  }
0x78: {  	_ =	shalt  }
0x79: {  	_ =	shalt  }
0x7a: {  	_ =	shalt  }
0x7b: {  	_ =	shalt  }
0x7c: {  	_ =	shalt  }
0x7d: {  	_ =	shalt  }
0x7e: {  	_ =	shalt  }
0x7f: {  	_ =	shalt  }
0x80: {  	_ =	shalt  }
0x81: {  	_ =	shalt  }
0x82: {  	_ =	shalt  }
0x83: {  	_ =	shalt  }
0x84: {  	_ =	shalt  }
0x85: {  	_ =	shalt  }
0x86: {  	_ =	shalt  }
0x87: {  	_ =	shalt  }
.Lfunc_end0:
.L_simem_size_0:
called_computation_lowered:
.L_overlay_start_0:
0x88: {  	s2 =	sld [smem:$0x3FD9]  }
0x89: {  	s3 =	sld [smem:$0x3FFE];
	_ =	sdelay $0x1  }
0x8a: {  	s1 =	srdreg.scid  }
0x8b: {  	s0 =	sand.u32 $0x1, s1  }
0x8c: {  	s16 =	sshll.u32 s0, $0xA;
	s2 =	sadd.s32 s3, s2  }
0x8d: {  	s2 =	sadd.s32 s2, s16  }
0x8e: {  	[smem:$0x3FBE] =	sst s2  }
0x8f: {  	_ = 	snop  }
0x90: {  	(tm) =	ssettm $0x1  }
0x91: {  	s17 =	sld [smem:$0x3FFB];
	_ =	sdelay $0x3  }
0x92: {  	_ =	strace s17  }
0x93: {  	s2 =	sld [smem:$0x3FFC];
	_ =	sdelay $0x3  }
0x94: {  	_ =	strace s2  }
0x95: {  	s2 =	sld [smem:$0x3FFD];
	_ =	sdelay $0x3  }
0x96: {  	_ =	strace s2  }
0x97: {  	_ =	strace $0x8FFFFFFF  }
0x98: {  	s18 =	sld [smem:$0x3FDB];
	_ =	sdelay $0x1  }
0x99: {  	s19 =	simm.s32 $_scs_section_size  }
0x9a: {  	s4 =	simm.s32 $_size__tile_overlayer_lowered;
	s5 =	simm.s32 $_tile_overlayer_lowered  }
0x9b: {  	s22 =	simm.s32 $0x1BFF;
	s21 =	sshll.u32 s5, $0x1;
	s2 =	sadd.s32 s19, s18  }
0x9c: {  	s6 =	simm.s32 $0x0;
	s20 =	sshll.u32 s4, $0x1;
	s4 =	sadd.s32 s21, s2  }
0x9d: {  	[timem:s6], [sflag:s22] =	dma.local [hbm:s4], s20  }
0x9e: {  	_ =	swait.ge [sflag:s22], s20  }
0x9f: {  	s3 =	ssub.s32 $0x0, s20;
	[sflag:s22] =	ssyncset.done $0x0  }
0xa0: {  	[sflag:s22] =	ssyncadd.s32 s3;
	_ =	sdelay $0x1  }
0xa1: {  	s23 =	simm.s32 $0x1B8B  }
0xa2: {  	_ =	swait.ge [sflag:s23], $0x1  }
0xa3: {  	[sflag:s23] =	ssyncset.done $0x0  }
0xa4: {  	s25 =	simm.s32 $0x1B8E;
	s24 =	sld [smem:$0x3FFE];
	[sflag:s23] =	ssyncadd.s32 $0xFFFFFFFF  }
0xa5: {  	s26 =	simm.s32 $execute0_lowered;
	[smem:$0x3FD2] =	sst s25  }
0xa6: {  	s4 =	sshll.u32 s26, $0x1;
	_ =	strace $0x80000046;
	[dreg:$0x1] =	wrdreg $0xFFFFFFFF  }
0xa7: {  	s28 =	simm.s32 $_size_execute0_lowered;
	s2 =	sadd.s32 s2, s4;
	[dreg:$0x0] =	wrdreg $0x0  }
0xa8: {  	s4 =	sshll.u32 s28, $0x1;
	[dreg:$0x2] =	wrdreg s2  }
0xa9: {  	[dreg:$0x3] =	wrdreg s4  }
0xaa: {  	[dreg:$0x4] =	wrdreg $0xC0  }
0xab: {  	_ =	task [dreg:s6], $0x5FFFF  }
0xac: {  	[dreg:$0x1] =	wrdreg $0xFFFFFFFF  }
0xad: {  	[dreg:$0x0] =	wrdreg $0x60  }
0xae: {  	[dreg:$0x2] =	wrdreg s24  }
0xaf: {  	[dreg:$0x3] =	wrdreg $0x120000  }
0xb0: {  	[dreg:$0x4] =	wrdreg $0x9  }
0xb1: {  	_ =	task.clear_ibuf [dreg:s6], $0x5FFFF;
	_ =	strace $0x90000046  }
0xb2: {  	s29 =	simm.s32 $0x9;
	_ =	strace $0x80000048  }
0xb3: {  	_ =	swait.ge [sflag:s29], $0x1  }
0xb4: {  	[sflag:s29] =	ssyncadd.s32 $0xFFFFFFFF  }
0xb5: {  	_ =	strace $0x90000048  }
0xb6: {  	_ =	sfence  }
0xb7: {  	s30 =	sld [smem:$0x0];
	_ =	sdelay $0x2  }
0xb8: {  	s31 =	sshll.u32 s1, $0xD;
	s1 =	sshrl.u32 s1, $0x2  }
0xb9: {  	s3 =	sand.u32 $0x4000, s31;
	s1 =	sadd.s32 s1, s30  }
0xba: {  	s0 =	sor.u32 s3, s0;
	s1 =	sshll.u32 s1, $0x11  }
0xbb: {  	s0 =	sor.u32 s1, s0  }
0xbc: {  	s0 =	sadd.s32 $0x8F2B, s0  }
0xbd: {  	[sflag:s0] =	ssyncadd.remote.s32 $0x1  }
0xbe: {  	_ =	sfence.sel $0xFFFF  }
0xbf: {  	[dreg:$0x0] =	wrdreg $0xFFFFFFFF;
	(pc) =	sbr.abs _section_cstart, $3  }
0xc0: {  	[dreg:$0x1] =	wrdreg $0xFFFFFFFF  }
0xc1: {  	_ =	task.clear_ibuf [dreg:s6], $0x2FFFF;
	_ =	strace $0x9FFFFFFF  }
0xc2: {  	(tm) =	ssettm $0x7FFFFFFF  }
0xc3: {  	_ =	shalt  }
tec
execute0_lowered:
.L_overlay_start_1:
0x0: {  	(tag) =	ssettag $0x1  }
0x1: {  	s5 =	rddreg [dreg:$0x0]  }
0x2: {  	s2 =	rddreg [dreg:$0x1]  }
0x3: {  	s0 =	srdreg.scid;
	s1 =	rddreg [dreg:$0x2];
	s3 =	simm.s32 $0x0  }
0x4: {  	s14 =	simm.s32 $0x80;
	s15 =	simm.s32 $0xA000;
	s16 =	simm.s32 $0xC000  }
0x5: {  	s17 =	simm.s32 $0x1;
	s18 =	simm.s32 $0x2;
	s6 =	sand.u32 $0x1, s0  }
0x6: {  	s19 =	simm.s32 $0xE000;
	s0 =	stileid.u32;
	s4 =	smul.u32 $0x13880, s6  }
0x7: {  	s20 =	simm.s32 $0x10000;
	s21 =	simm.s32 $0x9F00;
	s7 =	smul.u32 $0xA00, s0  }
0x8: {  	s22 =	simm.s32 $0x9F80;
	s23 =	simm.s32 $0x0;
	s8 =	smul.u32 $0x9E00, s0  }
0x9: {  	[smem:$0x7FF] =	sst s3;
	s9 =	smul.u32 $0x9E000, s6;
	s6 =	ssub.s32 $0x2, s6  }
0xa: {  	_ =	strace $0x80000047;
	s11 =	sshll.u32 s0, $0x6;
	s31 =	sshrl.u32 s6, $0x1  }
0xb: {  	s10 =	sadd.s32 s4, s5;
	s7 =	sadd.s32 s7, s5;
	s9 =	sadd.s32 s8, s9  }
.Ltmp0:
0xc: {  	s4 =	sadd.s32 $0x3CA00, s5;
	s12 =	ssub.s32 s6, s31;
	(pc) =	sbr.rel .LBB2_1-.Ltmp0, $4  }
0xd: {  	s13 =	sadd.s32 s8, s2;
	s9 =	sshrl.u32 s9, $0x3;
	s6 =	sadd.s32 $0x32A00, s7  }
0xe: {  	s7 =	sadd.s32 $0x28A00, s7;
	s8 =	sadd.s32 $0x1800, s10;
	s10 =	smax.u32 s12, $0x1  }
0xf: {  	s12 =	simm.s32 $0x3;
	s9 =	sadd.s32 s9, s5;
	s5 =	sor.u32 $0x1C03, s11  }
0x10: {  	s11 =	sshrl.u32 s13, $0x3;
	s13 =	simm.s32 $0x5000;
	s9 =	sadd.s32 $0x3DE00, s9  }
.LBB2_10:
0x11: {  	_ =	swait.ge [sflag:s17], $0x2000  }
0x12: {  	[sflag:s17] =	ssyncset.done $0x0  }
0x13: {  	[sflag:s17] =	ssyncadd.s32 $0xFFFFE000  }
0x14: {  	_ =	swait.ge [sflag:s17], $0x2000  }
0x15: {  	[sflag:s17] =	ssyncset.done $0x0  }
0x16: {  	[sflag:s17] =	ssyncadd.s32 $0xFFFFE000  }
0x17: {  	[spmem:s2] =	stream.indirect.scatter.add.f32 [tilespmem:s19], [sflag:$0x2], $0x40, s21, s14, $0xb8;
	[tilespmem:$0x1BE00] =	vst v63  }
0x18: {  	_ = 	snop  }
0x19: {  	[spmem:s2] =	stream.indirect.scatter.add.f32 [tilespmem:s20], [sflag:$0x2], $0x40, s22, s14, $0xb8;
	[tilespmem:$0x1BE00] =	vst v63  }
0x1a: {  	_ =	swait.ge [sflag:s18], $0x2000  }
0x1b: {  	[sflag:s18] =	ssyncset.done $0x0  }
0x1c: {  	[sflag:s18] =	ssyncadd.s32 $0xFFFFE000  }
0x1d: {  	_ =	swait.ge [sflag:s18], $0x2000  }
0x1e: {  	[sflag:s18] =	ssyncset.done $0x0  }
0x1f: {  	[sflag:s18] =	ssyncadd.s32 $0xFFFFE000  }
0x20: {  	_ =	swait.ge [sflag:s18], $0x2000  }
0x21: {  	[sflag:s18] =	ssyncset.done $0x0  }
0x22: {  	[sflag:s18] =	ssyncadd.s32 $0xFFFFE000  }
0x23: {  	_ =	swait.ge [sflag:s18], $0x2000  }
0x24: {  	s23 =	sadd.s32 $0x1, s23;
	[sflag:s18] =	ssyncset.done $0x0  }
0x25: {  	p0 =	sne.s32 s23, s10;
	[sflag:s18] =	ssyncadd.s32 $0xFFFFE000  }
.Ltmp1:
0x26: {  	[bflag:$0x0] =	sbarrier.arrive $0xFFFF;
	(pc) =	sbr.rel @!p0 .LBB2_11-.Ltmp1, $4  }
0x27: {  	[hbm:s9], [sflag:s5] =	dma.local [spmem:s11], $0x13C0  }
0x28: {  	_ =	swait.ge [sflag:s12], $0x13C0  }
0x29: {  	[sflag:s12] =	ssyncset.done $0x0  }
0x2a: {  	[sflag:s12] =	ssyncadd.s32 $0xFFFFEC40  }
.LBB2_1:
0x2b: {  	[spmem:s11], [sflag:s5] =	dma.local [hbm:s4], $0x13C0  }
0x2c: {  	_ =	swait.ge [sflag:s12], $0x13C0  }
0x2d: {  	[sflag:s12] =	ssyncset.done $0x0  }
0x2e: {  	[sflag:s12] =	ssyncadd.s32 $0xFFFFEC40  }
0x2f: {  	[tilespmem:s3], [sflag:$0x3] =	stream.linear.gather [hbm4b:s6+s3], $0x5000, $0x38;
	[tilespmem:$0x1BE00] =	vst v63  }
0x30: {  	_ =	swait.ge [sflag:s12], $0x5000  }
0x31: {  	[sflag:s12] =	ssyncset.done $0x0  }
0x32: {  	[sflag:s12] =	ssyncadd.s32 $0xFFFFB000  }
0x33: {  	[tilespmem:s13], [sflag:$0x3] =	stream.linear.gather [hbm4b:s7+s3], $0x5000, $0x38;
	[tilespmem:$0x1BE00] =	vst v63  }
0x34: {  	_ =	swait.ge [sflag:s12], $0x5000  }
0x35: {  	[sflag:s12] =	ssyncset.done $0x0  }
.Ltmp2:
0x36: {  	[sflag:s12] =	ssyncadd.s32 $0xFFFFB000;
	(pc) =	sbr.rel .LBB2_2-.Ltmp2, $4  }
0x37: {  	[bflag:$0x0] =	sbarrier.arrive $0xFFFF  }
0x38: {  	[tilespmem:s15], [sflag:$0x1] =	stream.indirect.gather [hbm4b:s8+s14], $0x40, s3, s14, $0xb8;
	[tilespmem:$0x1BE00] =	vst v63  }
0x39: {  	s24 =	simm.s32 $0x5080;
	s25 =	simm.s32 $0x180;
	s26 =	simm.s32 $0x0  }
0x3a: {  	[tilespmem:s16], [sflag:$0x1] =	stream.indirect.gather [hbm4b:s8+s14], $0x40, s14, s14, $0xb8;
	[tilespmem:$0x1BE00] =	vst v63  }
.LBB2_5:
0x3b: {  	[spmem:s2] =	stream.indirect.scatter.add.f32 [tilespmem:s15], [sflag:$0x2], $0x40, s21, s14, $0xb8;
	[tilespmem:$0x1BE00] =	vst v63  }
0x3c: {  	_ = 	snop  }
0x3d: {  	[spmem:s2] =	stream.indirect.scatter.add.f32 [tilespmem:s16], [sflag:$0x2], $0x40, s22, s14, $0xb8;
	[tilespmem:$0x1BE00] =	vst v63  }
.LBB2_8:
0x3e: {  	_ =	swait.ge [sflag:s17], $0x2000  }
0x3f: {  	[sflag:s17] =	ssyncset.done $0x0  }
0x40: {  	[sflag:s17] =	ssyncadd.s32 $0xFFFFE000  }
0x41: {  	_ =	swait.ge [sflag:s17], $0x2000  }
0x42: {  	[sflag:s17] =	ssyncset.done $0x0  }
0x43: {  	[sflag:s17] =	ssyncadd.s32 $0xFFFFE000  }
0x44: {  	_ =	swait.ge [sflag:s18], $0x2000  }
0x45: {  	[sflag:s18] =	ssyncset.done $0x0  }
0x46: {  	[sflag:s18] =	ssyncadd.s32 $0xFFFFE000  }
0x47: {  	_ =	swait.ge [sflag:s18], $0x2000  }
0x48: {  	[sflag:s18] =	ssyncset.done $0x0  }
0x49: {  	s28 =	sadd.s32 $0xFFFFFF80, s25;
	[sflag:s18] =	ssyncadd.s32 $0xFFFFE000  }
0x4a: {  	[tilespmem:s15], [sflag:$0x1] =	stream.indirect.gather [hbm4b:s8+s14], $0x40, s28, s14, $0xb8;
	[tilespmem:$0x1BE00] =	vst v63  }
0x4b: {  	_ = 	snop  }
0x4c: {  	[tilespmem:s16], [sflag:$0x1] =	stream.indirect.gather [hbm4b:s8+s14], $0x40, s25, s14, $0xb8;
	[tilespmem:$0x1BE00] =	vst v63  }
0x4d: {  	s31 =	sadd.s32 $0xFFFFFF80, s24  }
0x4e: {  	[spmem:s2] =	stream.indirect.scatter.add.f32 [tilespmem:s19], [sflag:$0x2], $0x40, s31, s14, $0xb8;
	[tilespmem:$0x1BE00] =	vst v63  }
0x4f: {  	_ = 	snop  }
0x50: {  	[spmem:s2] =	stream.indirect.scatter.add.f32 [tilespmem:s20], [sflag:$0x2], $0x40, s24, s14, $0xb8;
	[tilespmem:$0x1BE00] =	vst v63  }
.LBB2_9:
0x51: {  	s26 =	sadd.s32 $0x1, s26  }
0x52: {  	p0 =	sne.s32 s26, $0x4F  }
.Ltmp3:
0x53: {  	_ = 	snop;
	(pc) =	sbr.rel @!p0 .LBB2_10-.Ltmp3, $2  }
0x54: {  	_ =	sdelay $0x2  }
0x55: {  	s24 =	sadd.s32 $0x100, s24;
	s25 =	sadd.s32 $0x100, s25  }
.LBB2_2:
0x56: {  	s28 =	sand.u32 $0x1, s26  }
0x57: {  	p0 =	seq.s32 s28, $0x1  }
.Ltmp4:
0x58: {  	_ = 	snop;
	(pc) =	sbr.rel @p0 .LBB2_8-.Ltmp4, $1  }
0x59: {  	_ =	sdelay $0x3  }
0x5a: {  	_ =	swait.ge [sflag:s17], $0x2000;
	p0 =	seq.s32 s26, $0x0  }
.Ltmp5:
0x5b: {  	[sflag:s17] =	ssyncset.done $0x0;
	(pc) =	sbr.rel @p0 .LBB2_7-.Ltmp5, $4  }
0x5c: {  	[sflag:s17] =	ssyncadd.s32 $0xFFFFE000  }
0x5d: {  	_ =	swait.ge [sflag:s17], $0x2000  }
0x5e: {  	[sflag:s17] =	ssyncset.done $0x0  }
0x5f: {  	[sflag:s17] =	ssyncadd.s32 $0xFFFFE000  }
0x60: {  	p0 =	sne.s32 s26, $0x4F  }
.Ltmp6:
0x61: {  	_ = 	snop;
	(pc) =	sbr.rel @!p0 .LBB2_5-.Ltmp6, $1  }
0x62: {  	_ =	sdelay $0x3  }
0x63: {  	_ =	swait.ge [sflag:s18], $0x2000  }
0x64: {  	[sflag:s18] =	ssyncset.done $0x0  }
0x65: {  	[sflag:s18] =	ssyncadd.s32 $0xFFFFE000  }
0x66: {  	_ =	swait.ge [sflag:s18], $0x2000  }
0x67: {  	[sflag:s18] =	ssyncset.done $0x0  }
0x68: {  	[sflag:s18] =	ssyncadd.s32 $0xFFFFE000  }
.LBB2_7:
0x69: {  	s29 =	sadd.s32 $0xFFFFFF80, s25  }
0x6a: {  	[tilespmem:s19], [sflag:$0x1] =	stream.indirect.gather [hbm4b:s8+s14], $0x40, s29, s14, $0xb8;
	[tilespmem:$0x1BE00] =	vst v63  }
0x6b: {  	p0 =	seq.s32 s28, $0x0  }
0x6c: {  	[tilespmem:s20], [sflag:$0x1] =	stream.indirect.gather [hbm4b:s8+s14], $0x40, s25, s14, $0xb8;
	[tilespmem:$0x1BE00] =	vst v63  }
.Ltmp7:
0x6d: {  	_ = 	snop;
	(pc) =	sbr.rel @p0 .LBB2_9-.Ltmp7, $4  }
.Ltmp8:
0x6e: {  	s31 =	sadd.s32 $0xFFFFFF80, s24;
	(pc) =	sbr.rel @!p0 .LBB2_8-.Ltmp8, $4  }
0x6f: {  	[spmem:s2] =	stream.indirect.scatter.add.f32 [tilespmem:s15], [sflag:$0x2], $0x40, s31, s14, $0xb8;
	[tilespmem:$0x1BE00] =	vst v63  }
0x70: {  	_ = 	snop  }
0x71: {  	[spmem:s2] =	stream.indirect.scatter.add.f32 [tilespmem:s16], [sflag:$0x2], $0x40, s24, s14, $0xb8;
	[tilespmem:$0x1BE00] =	vst v63  }
0x72: {  	_ = 	snop  }
.LBB2_11:
0x73: {  	_ =	sfence.sel $0x180000  }
0x74: {  	[bflag:$0x0] =	sbarrier.arrive $0xFFFF  }
0x75: {  	p0 =	sne.s32 s0, $0x0;
	_ =	strace $0x90000047  }
0x76: {  	s0 =	sadd.s32 @!p0 $0x100000, s1;
	[bflag:$0x2] =	sbarrier.arrive $0xFFFF  }
0x77: {  	[sflag:s0] =	ssyncadd.tile.s32 @!p0 $0x1;
	_ =	shalt  }
.Lfunc_end2:
_tile_overlayer_lowered:
.L_overlay_start_2:
0x78: {  	(tag) =	ssettag $0x2  }
0x79: {  	s0 =	rddreg [dreg:$0x0];
	s2 =	stileid.u32  }
0x7a: {  	s1 =	rddreg [dreg:$0x1];
	p0 =	sne.s32 s2, $0x0  }
0x7b: {  	s3 =	rddreg [dreg:$0x2];
	[bflag:$0x3] =	sbarrier.arrive $0xFFFF;
	s2 =	simm.s32 @!p0 $0x1C03  }
0x7c: {  	[timem:s3], [sflag:s2] =	dma.local @!p0 [hbm:s0], s1  }
0x7d: {  	s0 =	simm.s32 @!p0 $0x3  }
0x7e: {  	_ =	swait.ge @!p0 [sflag:s0], s1  }
0x7f: {  	s1 =	ssub.s32 @!p0 $0x0, s1;
	[sflag:s0] =	ssyncset.done @!p0 $0x0  }
0x80: {  	[sflag:s0] =	ssyncadd.s32 @!p0 s1  }
0x81: {  	[bflag:$0x3] =	sbarrier.arrive $0xFFFF  }
0x82: {  	_ =	shalt  }

</sc_bundles>
